<compile_context>
chip_gen: v7x
topology: tpu7x:2x2x1
jax: 0.10.2.dev20260603
libtpu: 0.0.44.dev20260713+nightly
codegen_flags: <defaults>
</compile_context>

<pallas_src>
import functools

import jax
import jax.numpy as jnp
from jax import lax
from jax.experimental import pallas as pl
from jax.experimental.pallas import tpu as pltpu
from jax.experimental.pallas import tpu_sc as plsc

N = 10000
E = 320000
B = 20
FEAT = 128
H = 128

NC = 2
NS = 16
CHUNK = 128
CHUNKS = 157
EDGES_PER_S = CHUNKS * CHUNK
E_PAD = EDGES_PER_S * NS
N_PAD = 10112
ROWS_PER_S = N_PAD // NS


def _sc_segsum(table0, table1, src_pad, dst_pad, zrows):
    mesh = plsc.VectorSubcoreMesh(core_axis_name="c", subcore_axis_name="s")

    @functools.partial(
        pl.kernel,
        mesh=mesh,
        out_type=[
            jax.ShapeDtypeStruct((N_PAD, 128), jnp.float32),
            jax.ShapeDtypeStruct((N_PAD, 128), jnp.float32),
        ],
        scratch_types=[
            pltpu.VMEM((CHUNK,), jnp.int32),
            pltpu.VMEM((CHUNK,), jnp.int32),
            pltpu.VMEM((CHUNK, 128), jnp.float32),
            pltpu.VMEM_SHARED((N_PAD, 128), jnp.float32),
            pltpu.SemaphoreType.DMA,
        ],
    )
    def k(t0_hbm, t1_hbm, src_hbm, dst_hbm, z_hbm, out0_hbm, out1_hbm,
          sidx, didx, gbuf, acc, gsem):
        cid = lax.axis_index("c")
        sid = lax.axis_index("s")
        ebase = sid * EDGES_PER_S
        rbase = sid * ROWS_PER_S

        pltpu.sync_copy(z_hbm.at[pl.ds(rbase, ROWS_PER_S)],
                        acc.at[pl.ds(rbase, ROWS_PER_S)])
        plsc.subcore_barrier()

        def body_for(tab):
            def body(g, carry):
                off = ebase + g * CHUNK
                pltpu.sync_copy(src_hbm.at[pl.ds(off, CHUNK)], sidx)
                pltpu.sync_copy(dst_hbm.at[pl.ds(off, CHUNK)], didx)
                pltpu.async_copy(tab.at[sidx], gbuf, gsem).wait()
                pltpu.sync_copy(gbuf, acc.at[didx], add=True)
                return carry
            return body

        @pl.when(cid == 0)
        def _():
            lax.fori_loop(0, CHUNKS, body_for(t0_hbm), 0)

        @pl.when(cid == 1)
        def _():
            lax.fori_loop(0, CHUNKS, body_for(t1_hbm), 0)

        plsc.subcore_barrier()

        @pl.when(cid == 0)
        def _():
            pltpu.sync_copy(acc.at[pl.ds(rbase, ROWS_PER_S)],
                            out0_hbm.at[pl.ds(rbase, ROWS_PER_S)])

        @pl.when(cid == 1)
        def _():
            pltpu.sync_copy(acc.at[pl.ds(rbase, ROWS_PER_S)],
                            out1_hbm.at[pl.ds(rbase, ROWS_PER_S)])

    return k(table0, table1, src_pad, dst_pad, zrows)


RB = 1000
NRB = N // RB


def _ln_in(h, g, b):
    mu = jnp.mean(h, axis=-1, keepdims=True)
    var = jnp.var(h, axis=-1, keepdims=True)
    return (h - mu) / jnp.sqrt(var + 1e-5) * g + b


def _tables(nx, t):
    r = nx + 1e-7
    p = jnp.exp(r * t)
    q = r * p
    return (jnp.concatenate([p[:, :64], q[:, :64]], axis=1),
            jnp.concatenate([p[:, 64:], q[:, 64:]], axis=1))


def _prep_body(x_ref, w_ref, b_ref, t_ref, y_ref, t0_ref, t1_ref):
    y = jnp.maximum(x_ref[...] @ w_ref[...] + b_ref[...], 0.0)
    y_ref[...] = y
    t0_ref[...], t1_ref[...] = _tables(y, t_ref[0, 0])


def _tc_prep(x, wfc, bfc, t):
    row = pl.BlockSpec((RB, 128), lambda i: (i, 0))
    return pl.pallas_call(
        _prep_body,
        grid=(NRB,),
        in_specs=[
            row,
            pl.BlockSpec((128, 128), lambda i: (0, 0)),
            pl.BlockSpec((1, 128), lambda i: (0, 0)),
            pl.BlockSpec((1, 1), lambda i: (0, 0)),
        ],
        out_specs=[row, row, row],
        out_shape=[jax.ShapeDtypeStruct((N, 128), jnp.float32)] * 3,
    )(x, wfc, bfc.reshape(1, 128), t.reshape(1, 1))


def _layer_body(l, has_next, o0_ref, o1_ref, x_ref, w1_ref, b1_ref, g1_ref,
                e1_ref, w2_ref, b2_ref, gn_ref, bn_ref, t_ref, *out_refs):
    nx_ref = out_refs[0]
    o0 = o0_ref[...]
    o1 = o1_ref[...]
    xb = x_ref[...]
    S = jnp.concatenate([o0[:, :64], o1[:, :64]], axis=1)
    W = jnp.concatenate([o0[:, 64:], o1[:, 64:]], axis=1)
    o = W / (S + 1e-16) + xb
    h = o @ w1_ref[...] + b1_ref[...]
    h = jnp.maximum(_ln_in(h, g1_ref[...], e1_ref[...]), 0.0)
    h2 = h @ w2_ref[...] + b2_ref[...]
    if l == 0:
        nx = h2
    else:
        nx = xb + jnp.maximum(_ln_in(h2, gn_ref[...], bn_ref[...]), 0.0)
    nx_ref[...] = nx
    if has_next:
        t0, t1 = _tables(jnp.maximum(nx, 0.0), t_ref[0, 0])
        out_refs[1][...] = t0
        out_refs[2][...] = t1


def _tc_layer(l, out0, out1, x, p):
    has_next = l < 2
    row = pl.BlockSpec((RB, 128), lambda i: (i, 0))
    c1 = pl.BlockSpec((1, 256), lambda i: (0, 0))
    cw1 = pl.BlockSpec((128, 256), lambda i: (0, 0))
    cw2 = pl.BlockSpec((256, 128), lambda i: (0, 0))
    c2 = pl.BlockSpec((1, 128), lambda i: (0, 0))
    ct = pl.BlockSpec((1, 1), lambda i: (0, 0))
    gn = p['gn_%d' % l] if l else p['bm2_0']
    bn = p['bn_%d' % l] if l else p['bm2_0']
    tn = p['t%d' % (l + 1)] if has_next else p['t0']
    n_out = 3 if has_next else 1
    res = pl.pallas_call(
        functools.partial(_layer_body, l, has_next),
        grid=(NRB,),
        in_specs=[row, row, row, cw1, c1, c1, c1, cw2, c2, c2, c2, ct],
        out_specs=[row] * n_out,
        out_shape=[jax.ShapeDtypeStruct((N, 128), jnp.float32)] * n_out,
    )(out0[:N], out1[:N], x,
      p['Wm1_%d' % l], p['bm1_%d' % l].reshape(1, 256),
      p['g1_%d' % l].reshape(1, 256), p['be1_%d' % l].reshape(1, 256),
      p['Wm2_%d' % l], p['bm2_%d' % l].reshape(1, 128),
      gn.reshape(1, 128), bn.reshape(1, 128), tn.reshape(1, 1))
    return res if has_next else (res[0], None, None)


def _attn_body(x_ref, wphi_ref, bphi_ref, wa_ref, ba_ref, wb_ref, bb_ref,
               wc_ref, bc_ref, wr_ref, br_ref, wcls_ref, bcls_ref, out_ref):
    xb = x_ref[0]
    hp = jnp.maximum(xb @ wphi_ref[...] + bphi_ref[...], 0.0)
    a = jnp.tanh(hp @ wa_ref[...] + ba_ref[...])
    g = jax.nn.sigmoid(hp @ wb_ref[...] + bb_ref[...])
    s = ((a * g) @ wc_ref[...] + bc_ref[...])[:, :1]
    rowid = jax.lax.broadcasted_iota(jnp.int32, (512, 1), 0)
    s = jnp.where(rowid < 500, s, -1e30)
    s = s - jnp.max(s, axis=0, keepdims=True)
    e = jnp.exp(s)
    A = e / jnp.sum(e, axis=0, keepdims=True)
    h2 = jnp.sum(A * hp, axis=0, keepdims=True)
    bag = jnp.maximum(h2 @ wr_ref[...] + br_ref[...], 0.0)
    out_ref[0] = bag @ wcls_ref[...] + bcls_ref[...]


def _tc_attn(xp, p):
    D = 4 * H
    cw = pl.BlockSpec((D, D), lambda i: (0, 0))
    cb = pl.BlockSpec((1, D), lambda i: (0, 0))
    wc_pad = jnp.pad(p['Wc'], ((0, 0), (0, 127)))
    bc_pad = jnp.pad(p['bc'], ((0, 127))).reshape(1, 128)
    wcls_pad = jnp.pad(p['Wcls'], ((0, 0), (0, 126)))
    bcls_pad = jnp.pad(p['bcls'], ((0, 126))).reshape(1, 128)
    out = pl.pallas_call(
        _attn_body,
        grid=(B,),
        in_specs=[
            pl.BlockSpec((1, 512, D), lambda i: (i, 0, 0)),
            cw, cb, cw, cb, cw, cb,
            pl.BlockSpec((D, 128), lambda i: (0, 0)),
            pl.BlockSpec((1, 128), lambda i: (0, 0)),
            cw, cb,
            pl.BlockSpec((D, 128), lambda i: (0, 0)),
            pl.BlockSpec((1, 128), lambda i: (0, 0)),
        ],
        out_specs=pl.BlockSpec((1, 1, 128), lambda i: (i, 0, 0)),
        out_shape=jax.ShapeDtypeStruct((B, 1, 128), jnp.float32),
    )(xp, p['Wphi'], p['bphi'].reshape(1, D), p['Wa'], p['ba'].reshape(1, D),
      p['Wb'], p['bb'].reshape(1, D), wc_pad, bc_pad,
      p['Wrho'], p['brho'].reshape(1, D), wcls_pad, bcls_pad)
    return out.reshape(B, 128)[:, :2]


def kernel(x, edge_index, edge_latent, y, params):
    p = params
    src = edge_index[0].astype(jnp.int32)
    dst = edge_index[1].astype(jnp.int32)
    pad = E_PAD - E
    src_pad = jnp.concatenate([src, jnp.zeros((pad,), jnp.int32)])
    dst_pad = jnp.concatenate(
        [dst, N + (jnp.arange(pad, dtype=jnp.int32) % (N_PAD - N))])
    zrows = jnp.zeros((N_PAD, 128), jnp.float32)

    x, tab0, tab1 = _tc_prep(x, p['Wfc'], p['bfc'], p['t0'])
    cols = [x]
    for l in range(3):
        s0, s1 = _sc_segsum(tab0, tab1, src_pad, dst_pad, zrows)
        x, tab0, tab1 = _tc_layer(l, s0, s1, x, p)
        cols.append(x)
    x_ = jnp.concatenate(cols, axis=-1)
    xp = jnp.pad(x_.reshape(B, 500, 4 * H), ((0, 0), (0, 12), (0, 0)))
    return _tc_attn(xp, p)

# --- scband reference (transcript-rebuilt; emitter-appended) ---
"""Pipeline reference for scband-patch-gcn-60224031425186 (READ-ONLY COPY).

The authoritative reference and input builder live on the scoring server;
editing this copy changes nothing except your own understanding.
"""

import jax, jax.numpy as jnp
import numpy as np

N = 10000
E = 320000
B = 20
FEAT = 128
H = 128

def _ln(x, g, b):
    mu = jnp.mean(x, axis=-1, keepdims=True)
    var = jnp.var(x, axis=-1, keepdims=True)
    return (x - mu) / jnp.sqrt(var + 1e-5) * g + b

def _seg_softmax(v, idx, n):
    m = jax.ops.segment_max(v, idx, num_segments=n)
    m = jnp.where(jnp.isfinite(m), m, 0.0)
    e = jnp.exp(v - m[idx])
    s = jax.ops.segment_sum(e, idx, num_segments=n)
    return e / (s[idx] + 1e-16)

def _genconv(x, src, dst, p, l, n):
    msg = jax.nn.relu(x[src]) + 1e-7
    alpha = _seg_softmax(msg * p['t%d' % l], dst, n)
    agg = jax.ops.segment_sum(msg * alpha, dst, num_segments=n)
    out = agg + x
    h = out @ p['Wm1_%d' % l] + p['bm1_%d' % l]
    h = _ln(h, p['g1_%d' % l], p['be1_%d' % l])
    h = jax.nn.relu(h)
    return h @ p['Wm2_%d' % l] + p['bm2_%d' % l]

def _forward(x, edge_index, p):
    src = edge_index[0]
    dst = edge_index[1]
    x = jax.nn.relu(x @ p['Wfc'] + p['bfc'])
    x_ = x
    h = _genconv(x, src, dst, p, 0, N)
    x_ = jnp.concatenate([x_, h], axis=-1)
    x = h
    for l in (1, 2):
        hh = _genconv(x, src, dst, p, l, N)
        hh = _ln(hh, p['gn_%d' % l], p['bn_%d' % l])
        hh = jax.nn.relu(hh)
        x = x + hh
        x_ = jnp.concatenate([x_, x], axis=-1)
    hp = x_.reshape(B, 500, 4 * H)
    hp = jax.nn.relu(hp @ p['Wphi'] + p['bphi'])
    a = jnp.tanh(hp @ p['Wa'] + p['ba'])
    g = jax.nn.sigmoid(hp @ p['Wb'] + p['bb'])
    A = (a * g) @ p['Wc'] + p['bc']
    A = jnp.swapaxes(A, -1, -2)
    A = jax.nn.softmax(A, axis=-1)
    h2 = jnp.matmul(A, hp)
    bag = jax.nn.relu(h2 @ p['Wrho'] + p['brho'])[:, 0, :]
    return bag @ p['Wcls'] + p['bcls']

def setup_inputs(seed: int = 0):
    key = jax.random.key(seed)
    ks = jax.random.split(key, 16)
    x = jax.random.normal(ks[0], (N, FEAT), dtype=jnp.float32)
    edge_index = jax.random.randint(ks[1], (2, E), 0, N)
    edge_latent = jax.random.randint(ks[2], (2, E), 0, N)
    y = jax.random.randint(ks[3], (B,), 0, 2)
    D = 4 * H
    p = {}
    p['Wfc'] = jax.random.normal(ks[4], (FEAT, H), dtype=jnp.float32) * 0.05
    p['bfc'] = jnp.zeros((H,), jnp.float32)
    for l in range(3):
        kk = jax.random.fold_in(ks[5], l)
        k1, k2 = jax.random.split(kk)
        p['t%d' % l] = jnp.array(1.0, jnp.float32)
        p['Wm1_%d' % l] = jax.random.normal(k1, (H, 2 * H), dtype=jnp.float32) * 0.05
        p['bm1_%d' % l] = jnp.zeros((2 * H,), jnp.float32)
        p['g1_%d' % l] = jnp.ones((2 * H,), jnp.float32)
        p['be1_%d' % l] = jnp.zeros((2 * H,), jnp.float32)
        p['Wm2_%d' % l] = jax.random.normal(k2, (2 * H, H), dtype=jnp.float32) * 0.05
        p['bm2_%d' % l] = jnp.zeros((H,), jnp.float32)
    for l in (1, 2):
        p['gn_%d' % l] = jnp.ones((H,), jnp.float32)
        p['bn_%d' % l] = jnp.zeros((H,), jnp.float32)
    for i, nm in enumerate(['Wphi', 'Wa', 'Wb', 'Wrho']):
        p[nm] = jax.random.normal(ks[6 + i], (D, D), dtype=jnp.float32) * 0.02
    p['bphi'] = jnp.zeros((D,), jnp.float32)
    p['ba'] = jnp.zeros((D,), jnp.float32)
    p['bb'] = jnp.zeros((D,), jnp.float32)
    p['brho'] = jnp.zeros((D,), jnp.float32)
    p['Wc'] = jax.random.normal(ks[10], (D, 1), dtype=jnp.float32) * 0.02
    p['bc'] = jnp.zeros((1,), jnp.float32)
    p['Wcls'] = jax.random.normal(ks[11], (D, 2), dtype=jnp.float32) * 0.02
    p['bcls'] = jnp.zeros((2,), jnp.float32)
    return {'x': x, 'edge_index': edge_index, 'edge_latent': edge_latent, 'y': y, 'params': p}

def reference(x, edge_index, edge_latent, y, params):
    # edge_agg='spatial' -> edge_index used; training warmup path (y=None) returns logits_mlp;
    # dropout disabled (deterministic); rehearsal-buffer side effect omitted (not part of output).
    return _forward(x, edge_index, params)

if __name__ == "__main__":
    import jax
    _d = setup_inputs()
    print(jax.jit(kernel)(*tuple(_d.values())))

</pallas_src>

<mosaic_0001>
#map = affine_map<(d0, d1) -> (0, 0)>
#map1 = affine_map<(d0, d1) -> (0)>
module attributes {stable_mosaic.version = 14 : i64} {
  func.func @k(%arg0: i32, %arg1: i32, %arg2: memref<10000x128xf32, #tpu.memory_space<hbm>>, %arg3: memref<10000x128xf32, #tpu.memory_space<hbm>>, %arg4: memref<321536xi32, #tpu.memory_space<hbm>>, %arg5: memref<321536xi32, #tpu.memory_space<hbm>>, %arg6: memref<10112x128xf32, #tpu.memory_space<hbm>>, %arg7: memref<10112x128xf32, #tpu.memory_space<hbm>>, %arg8: memref<10112x128xf32, #tpu.memory_space<hbm>>, %arg9: memref<128xi32, #tpu.memory_space<vmem>>, %arg10: memref<128xi32, #tpu.memory_space<vmem>>, %arg11: memref<128x128xf32, #tpu.memory_space<vmem>>, %arg12: memref<10112x128xf32, #tpu.memory_space<vmem_shared>>, %arg13: memref<!tpu.dma_semaphore, #tpu.memory_space<semaphore_mem>>) attributes {dimension_semantics = [#tpu.dimension_semantics<core_parallel>, #tpu.dimension_semantics<subcore_parallel>], iteration_bounds = array<i64: 2, 16>, scalar_prefetch = 0 : i64, scratch_operands = 5 : i64, tpu.core_type = #tpu.core_type<sc_vector_subcore>, window_params = [{transform_indices = #map}, {transform_indices = #map}, {transform_indices = #map1}, {transform_indices = #map1}, {transform_indices = #map}, {transform_indices = #map}, {transform_indices = #map}]} {
    %mul3A = arith.constant 20096 : i32
    %mul3A_0 = arith.muli %arg1, %mul3A : i32
    %mul3A_1 = arith.constant 632 : i32
    %mul3A_2 = arith.muli %arg1, %mul3A_1 : i32
    "tpu.region"() ({
      %run_scoped3A = tpu.sem_alloc : memref<!tpu.dma_semaphore, #tpu.memory_space<semaphore_mem>>
      %dma_start3A = arith.constant 0 : i32
      %dma_start3A_21 = tpu.memref_slice %arg12[%mul3A_2, %dma_start3A] : memref<10112x128xf32, #tpu.memory_space<vmem_shared>> -> memref<632x128xf32, #tpu.memory_space<vmem_shared>>
      %dma_start3A_22 = arith.constant 0 : i32
      %dma_start3A_23 = tpu.memref_slice %arg6[%mul3A_2, %dma_start3A_22] : memref<10112x128xf32, #tpu.memory_space<hbm>> -> memref<632x128xf32, #tpu.memory_space<hbm>>
      tpu.enqueue_dma source(%dma_start3A_23 : memref<632x128xf32, #tpu.memory_space<hbm>>) target(%dma_start3A_21 : memref<632x128xf32, #tpu.memory_space<vmem_shared>>) target_semaphore(%run_scoped3A : memref<!tpu.dma_semaphore, #tpu.memory_space<semaphore_mem>>)
      %dma_wait3A = arith.constant 0 : i32
      %dma_wait3A_24 = tpu.memref_slice %arg12[%mul3A_2, %dma_wait3A] : memref<10112x128xf32, #tpu.memory_space<vmem_shared>> -> memref<632x128xf32, #tpu.memory_space<vmem_shared>>
      %dma_wait3A_25 = arith.constant 0 : i32
      %dma_wait3A_26 = tpu.memref_slice %arg6[%mul3A_2, %dma_wait3A_25] : memref<10112x128xf32, #tpu.memory_space<hbm>> -> memref<632x128xf32, #tpu.memory_space<hbm>>
      tpu.wait_dma2 semaphore(%run_scoped3A : memref<!tpu.dma_semaphore, #tpu.memory_space<semaphore_mem>>) src(%dma_wait3A_26 : memref<632x128xf32, #tpu.memory_space<hbm>>) dst(%dma_wait3A_24 : memref<632x128xf32, #tpu.memory_space<vmem_shared>>)
      tpu.yield
    }) : () -> ()
    %barrier3A = arith.constant 0 : index
    tpu.barrier barrier_id(%barrier3A)
    %eq3A = arith.constant 0 : i32
    %eq3A_3 = arith.cmpi eq, %arg0, %eq3A : i32
    %convert_element_type3A = arith.extui %eq3A_3 : i1 to i32
    %cond3A = arith.constant 0 : i32
    %cond3A_4 = arith.cmpi ne, %convert_element_type3A, %cond3A : i32
    scf.if %cond3A_4 {
      %scan3A = arith.constant 0 : i32
      %scan3A_21 = arith.constant 0 : i32
      %scan3A_22 = arith.constant 157 : i32
      %scan3A_23 = arith.addi %scan3A_21, %scan3A_22 : i32
      %scan3A_24 = arith.constant 1 : i32
      scf.for %scan3A_26 = %scan3A_21 to %scan3A_23 step %scan3A_24  : i32 {
        %mul3A_27 = arith.constant 128 : i32
        %mul3A_28 = arith.muli %scan3A_26, %mul3A_27 : i32
        %add3A = arith.addi %mul3A_0, %mul3A_28 : i32
        "tpu.region"() ({
          %run_scoped3A = tpu.sem_alloc : memref<!tpu.dma_semaphore, #tpu.memory_space<semaphore_mem>>
          %dma_start3A_33 = tpu.memref_slice %arg4[%add3A] : memref<321536xi32, #tpu.memory_space<hbm>> -> memref<128xi32, #tpu.memory_space<hbm>>
          %dma_start3A_34 = tpu.memref_slice %arg4[%add3A] : memref<321536xi32, #tpu.memory_space<hbm>> -> memref<128xi32, #tpu.memory_space<hbm>>
          tpu.enqueue_dma source(%dma_start3A_34 : memref<128xi32, #tpu.memory_space<hbm>>) target(%arg9 : memref<128xi32, #tpu.memory_space<vmem>>) target_semaphore(%run_scoped3A : memref<!tpu.dma_semaphore, #tpu.memory_space<semaphore_mem>>)
          %dma_wait3A_35 = tpu.memref_slice %arg4[%add3A] : memref<321536xi32, #tpu.memory_space<hbm>> -> memref<128xi32, #tpu.memory_space<hbm>>
          %dma_wait3A_36 = tpu.memref_slice %arg4[%add3A] : memref<321536xi32, #tpu.memory_space<hbm>> -> memref<128xi32, #tpu.memory_space<hbm>>
          tpu.wait_dma2 semaphore(%run_scoped3A : memref<!tpu.dma_semaphore, #tpu.memory_space<semaphore_mem>>) src(%dma_wait3A_36 : memref<128xi32, #tpu.memory_space<hbm>>) dst(%arg9 : memref<128xi32, #tpu.memory_space<vmem>>)
          tpu.yield
        }) : () -> ()
        "tpu.region"() ({
          %run_scoped3A = tpu.sem_alloc : memref<!tpu.dma_semaphore, #tpu.memory_space<semaphore_mem>>
          %dma_start3A_33 = tpu.memref_slice %arg5[%add3A] : memref<321536xi32, #tpu.memory_space<hbm>> -> memref<128xi32, #tpu.memory_space<hbm>>
          %dma_start3A_34 = tpu.memref_slice %arg5[%add3A] : memref<321536xi32, #tpu.memory_space<hbm>> -> memref<128xi32, #tpu.memory_space<hbm>>
          tpu.enqueue_dma source(%dma_start3A_34 : memref<128xi32, #tpu.memory_space<hbm>>) target(%arg10 : memref<128xi32, #tpu.memory_space<vmem>>) target_semaphore(%run_scoped3A : memref<!tpu.dma_semaphore, #tpu.memory_space<semaphore_mem>>)
          %dma_wait3A_35 = tpu.memref_slice %arg5[%add3A] : memref<321536xi32, #tpu.memory_space<hbm>> -> memref<128xi32, #tpu.memory_space<hbm>>
          %dma_wait3A_36 = tpu.memref_slice %arg5[%add3A] : memref<321536xi32, #tpu.memory_space<hbm>> -> memref<128xi32, #tpu.memory_space<hbm>>
          tpu.wait_dma2 semaphore(%run_scoped3A : memref<!tpu.dma_semaphore, #tpu.memory_space<semaphore_mem>>) src(%dma_wait3A_36 : memref<128xi32, #tpu.memory_space<hbm>>) dst(%arg10 : memref<128xi32, #tpu.memory_space<vmem>>)
          tpu.yield
        }) : () -> ()
        %dma_start3A = arith.constant 0 : i32
        %dma_start3A_29 = arith.constant 0 : i32
        %dma_start3A_30 = tpu.memref_slice %arg2[%dma_start3A, %dma_start3A_29] : memref<10000x128xf32, #tpu.memory_space<hbm>> -> memref<10000x128xf32, #tpu.memory_space<hbm>>
        tpu.enqueue_indirect_dma source(%dma_start3A_30 : memref<10000x128xf32, #tpu.memory_space<hbm>>) target(%arg11 : memref<128x128xf32, #tpu.memory_space<vmem>>) offsets(%arg9 : memref<128xi32, #tpu.memory_space<vmem>>) semaphore(%arg13 : memref<!tpu.dma_semaphore, #tpu.memory_space<semaphore_mem>>)
        %dma_wait3A = arith.constant 0 : i32
        %dma_wait3A_31 = arith.constant 0 : i32
        %dma_wait3A_32 = tpu.memref_slice %arg2[%dma_wait3A, %dma_wait3A_31] : memref<10000x128xf32, #tpu.memory_space<hbm>> -> memref<10000x128xf32, #tpu.memory_space<hbm>>
        tpu.wait_indirect_dma semaphore(%arg13 : memref<!tpu.dma_semaphore, #tpu.memory_space<semaphore_mem>>) src(%dma_wait3A_32 : memref<10000x128xf32, #tpu.memory_space<hbm>>) dst(%arg11 : memref<128x128xf32, #tpu.memory_space<vmem>>)
        "tpu.region"() ({
          %run_scoped3A = tpu.sem_alloc : memref<!tpu.dma_semaphore, #tpu.memory_space<semaphore_mem>>
          %dma_start3A_33 = arith.constant 0 : i32
          %dma_start3A_34 = arith.constant 0 : i32
          %dma_start3A_35 = tpu.memref_slice %arg12[%dma_start3A_33, %dma_start3A_34] : memref<10112x128xf32, #tpu.memory_space<vmem_shared>> -> memref<10112x128xf32, #tpu.memory_space<vmem_shared>>
          tpu.enqueue_indirect_dma source(%arg11 : memref<128x128xf32, #tpu.memory_space<vmem>>) target(%dma_start3A_35 : memref<10112x128xf32, #tpu.memory_space<vmem_shared>>) offsets(%arg10 : memref<128xi32, #tpu.memory_space<vmem>>) semaphore(%run_scoped3A : memref<!tpu.dma_semaphore, #tpu.memory_space<semaphore_mem>>) {add = true}
          %dma_wait3A_36 = arith.constant 0 : i32
          %dma_wait3A_37 = arith.constant 0 : i32
          %dma_wait3A_38 = tpu.memref_slice %arg12[%dma_wait3A_36, %dma_wait3A_37] : memref<10112x128xf32, #tpu.memory_space<vmem_shared>> -> memref<10112x128xf32, #tpu.memory_space<vmem_shared>>
          tpu.wait_indirect_dma semaphore(%run_scoped3A : memref<!tpu.dma_semaphore, #tpu.memory_space<semaphore_mem>>) src(%arg11 : memref<128x128xf32, #tpu.memory_space<vmem>>) dst(%dma_wait3A_38 : memref<10112x128xf32, #tpu.memory_space<vmem_shared>>)
          tpu.yield
        }) : () -> ()
      }
      %scan3A_25 = arith.constant 157 : i32
    } else {
    }
    %eq3A_5 = arith.constant 1 : i32
    %eq3A_6 = arith.cmpi eq, %arg0, %eq3A_5 : i32
    %convert_element_type3A_7 = arith.extui %eq3A_6 : i1 to i32
    %cond3A_8 = arith.constant 0 : i32
    %cond3A_9 = arith.cmpi ne, %convert_element_type3A_7, %cond3A_8 : i32
    scf.if %cond3A_9 {
      %scan3A = arith.constant 0 : i32
      %scan3A_21 = arith.constant 0 : i32
      %scan3A_22 = arith.constant 157 : i32
      %scan3A_23 = arith.addi %scan3A_21, %scan3A_22 : i32
      %scan3A_24 = arith.constant 1 : i32
      scf.for %scan3A_26 = %scan3A_21 to %scan3A_23 step %scan3A_24  : i32 {
        %mul3A_27 = arith.constant 128 : i32
        %mul3A_28 = arith.muli %scan3A_26, %mul3A_27 : i32
        %add3A = arith.addi %mul3A_0, %mul3A_28 : i32
        "tpu.region"() ({
          %run_scoped3A = tpu.sem_alloc : memref<!tpu.dma_semaphore, #tpu.memory_space<semaphore_mem>>
          %dma_start3A_33 = tpu.memref_slice %arg4[%add3A] : memref<321536xi32, #tpu.memory_space<hbm>> -> memref<128xi32, #tpu.memory_space<hbm>>
          %dma_start3A_34 = tpu.memref_slice %arg4[%add3A] : memref<321536xi32, #tpu.memory_space<hbm>> -> memref<128xi32, #tpu.memory_space<hbm>>
          tpu.enqueue_dma source(%dma_start3A_34 : memref<128xi32, #tpu.memory_space<hbm>>) target(%arg9 : memref<128xi32, #tpu.memory_space<vmem>>) target_semaphore(%run_scoped3A : memref<!tpu.dma_semaphore, #tpu.memory_space<semaphore_mem>>)
          %dma_wait3A_35 = tpu.memref_slice %arg4[%add3A] : memref<321536xi32, #tpu.memory_space<hbm>> -> memref<128xi32, #tpu.memory_space<hbm>>
          %dma_wait3A_36 = tpu.memref_slice %arg4[%add3A] : memref<321536xi32, #tpu.memory_space<hbm>> -> memref<128xi32, #tpu.memory_space<hbm>>
          tpu.wait_dma2 semaphore(%run_scoped3A : memref<!tpu.dma_semaphore, #tpu.memory_space<semaphore_mem>>) src(%dma_wait3A_36 : memref<128xi32, #tpu.memory_space<hbm>>) dst(%arg9 : memref<128xi32, #tpu.memory_space<vmem>>)
          tpu.yield
        }) : () -> ()
        "tpu.region"() ({
          %run_scoped3A = tpu.sem_alloc : memref<!tpu.dma_semaphore, #tpu.memory_space<semaphore_mem>>
          %dma_start3A_33 = tpu.memref_slice %arg5[%add3A] : memref<321536xi32, #tpu.memory_space<hbm>> -> memref<128xi32, #tpu.memory_space<hbm>>
          %dma_start3A_34 = tpu.memref_slice %arg5[%add3A] : memref<321536xi32, #tpu.memory_space<hbm>> -> memref<128xi32, #tpu.memory_space<hbm>>
          tpu.enqueue_dma source(%dma_start3A_34 : memref<128xi32, #tpu.memory_space<hbm>>) target(%arg10 : memref<128xi32, #tpu.memory_space<vmem>>) target_semaphore(%run_scoped3A : memref<!tpu.dma_semaphore, #tpu.memory_space<semaphore_mem>>)
          %dma_wait3A_35 = tpu.memref_slice %arg5[%add3A] : memref<321536xi32, #tpu.memory_space<hbm>> -> memref<128xi32, #tpu.memory_space<hbm>>
          %dma_wait3A_36 = tpu.memref_slice %arg5[%add3A] : memref<321536xi32, #tpu.memory_space<hbm>> -> memref<128xi32, #tpu.memory_space<hbm>>
          tpu.wait_dma2 semaphore(%run_scoped3A : memref<!tpu.dma_semaphore, #tpu.memory_space<semaphore_mem>>) src(%dma_wait3A_36 : memref<128xi32, #tpu.memory_space<hbm>>) dst(%arg10 : memref<128xi32, #tpu.memory_space<vmem>>)
          tpu.yield
        }) : () -> ()
        %dma_start3A = arith.constant 0 : i32
        %dma_start3A_29 = arith.constant 0 : i32
        %dma_start3A_30 = tpu.memref_slice %arg3[%dma_start3A, %dma_start3A_29] : memref<10000x128xf32, #tpu.memory_space<hbm>> -> memref<10000x128xf32, #tpu.memory_space<hbm>>
        tpu.enqueue_indirect_dma source(%dma_start3A_30 : memref<10000x128xf32, #tpu.memory_space<hbm>>) target(%arg11 : memref<128x128xf32, #tpu.memory_space<vmem>>) offsets(%arg9 : memref<128xi32, #tpu.memory_space<vmem>>) semaphore(%arg13 : memref<!tpu.dma_semaphore, #tpu.memory_space<semaphore_mem>>)
        %dma_wait3A = arith.constant 0 : i32
        %dma_wait3A_31 = arith.constant 0 : i32
        %dma_wait3A_32 = tpu.memref_slice %arg3[%dma_wait3A, %dma_wait3A_31] : memref<10000x128xf32, #tpu.memory_space<hbm>> -> memref<10000x128xf32, #tpu.memory_space<hbm>>
        tpu.wait_indirect_dma semaphore(%arg13 : memref<!tpu.dma_semaphore, #tpu.memory_space<semaphore_mem>>) src(%dma_wait3A_32 : memref<10000x128xf32, #tpu.memory_space<hbm>>) dst(%arg11 : memref<128x128xf32, #tpu.memory_space<vmem>>)
        "tpu.region"() ({
          %run_scoped3A = tpu.sem_alloc : memref<!tpu.dma_semaphore, #tpu.memory_space<semaphore_mem>>
          %dma_start3A_33 = arith.constant 0 : i32
          %dma_start3A_34 = arith.constant 0 : i32
          %dma_start3A_35 = tpu.memref_slice %arg12[%dma_start3A_33, %dma_start3A_34] : memref<10112x128xf32, #tpu.memory_space<vmem_shared>> -> memref<10112x128xf32, #tpu.memory_space<vmem_shared>>
          tpu.enqueue_indirect_dma source(%arg11 : memref<128x128xf32, #tpu.memory_space<vmem>>) target(%dma_start3A_35 : memref<10112x128xf32, #tpu.memory_space<vmem_shared>>) offsets(%arg10 : memref<128xi32, #tpu.memory_space<vmem>>) semaphore(%run_scoped3A : memref<!tpu.dma_semaphore, #tpu.memory_space<semaphore_mem>>) {add = true}
          %dma_wait3A_36 = arith.constant 0 : i32
          %dma_wait3A_37 = arith.constant 0 : i32
          %dma_wait3A_38 = tpu.memref_slice %arg12[%dma_wait3A_36, %dma_wait3A_37] : memref<10112x128xf32, #tpu.memory_space<vmem_shared>> -> memref<10112x128xf32, #tpu.memory_space<vmem_shared>>
          tpu.wait_indirect_dma semaphore(%run_scoped3A : memref<!tpu.dma_semaphore, #tpu.memory_space<semaphore_mem>>) src(%arg11 : memref<128x128xf32, #tpu.memory_space<vmem>>) dst(%dma_wait3A_38 : memref<10112x128xf32, #tpu.memory_space<vmem_shared>>)
          tpu.yield
        }) : () -> ()
      }
      %scan3A_25 = arith.constant 157 : i32
    } else {
    }
    %barrier3A_10 = arith.constant 0 : index
    tpu.barrier barrier_id(%barrier3A_10)
    %eq3A_11 = arith.constant 0 : i32
    %eq3A_12 = arith.cmpi eq, %arg0, %eq3A_11 : i32
    %convert_element_type3A_13 = arith.extui %eq3A_12 : i1 to i32
    %cond3A_14 = arith.constant 0 : i32
    %cond3A_15 = arith.cmpi ne, %convert_element_type3A_13, %cond3A_14 : i32
    scf.if %cond3A_15 {
      "tpu.region"() ({
        %run_scoped3A = tpu.sem_alloc : memref<!tpu.dma_semaphore, #tpu.memory_space<semaphore_mem>>
        %dma_start3A = arith.constant 0 : i32
        %dma_start3A_21 = tpu.memref_slice %arg7[%mul3A_2, %dma_start3A] : memref<10112x128xf32, #tpu.memory_space<hbm>> -> memref<632x128xf32, #tpu.memory_space<hbm>>
        %dma_start3A_22 = arith.constant 0 : i32
        %dma_start3A_23 = tpu.memref_slice %arg12[%mul3A_2, %dma_start3A_22] : memref<10112x128xf32, #tpu.memory_space<vmem_shared>> -> memref<632x128xf32, #tpu.memory_space<vmem_shared>>
        tpu.enqueue_dma source(%dma_start3A_23 : memref<632x128xf32, #tpu.memory_space<vmem_shared>>) target(%dma_start3A_21 : memref<632x128xf32, #tpu.memory_space<hbm>>) target_semaphore(%run_scoped3A : memref<!tpu.dma_semaphore, #tpu.memory_space<semaphore_mem>>)
        %dma_wait3A = arith.constant 0 : i32
        %dma_wait3A_24 = tpu.memref_slice %arg7[%mul3A_2, %dma_wait3A] : memref<10112x128xf32, #tpu.memory_space<hbm>> -> memref<632x128xf32, #tpu.memory_space<hbm>>
        %dma_wait3A_25 = arith.constant 0 : i32
        %dma_wait3A_26 = tpu.memref_slice %arg12[%mul3A_2, %dma_wait3A_25] : memref<10112x128xf32, #tpu.memory_space<vmem_shared>> -> memref<632x128xf32, #tpu.memory_space<vmem_shared>>
        tpu.wait_dma2 semaphore(%run_scoped3A : memref<!tpu.dma_semaphore, #tpu.memory_space<semaphore_mem>>) src(%dma_wait3A_26 : memref<632x128xf32, #tpu.memory_space<vmem_shared>>) dst(%dma_wait3A_24 : memref<632x128xf32, #tpu.memory_space<hbm>>)
        tpu.yield
      }) : () -> ()
    } else {
    }
    %eq3A_16 = arith.constant 1 : i32
    %eq3A_17 = arith.cmpi eq, %arg0, %eq3A_16 : i32
    %convert_element_type3A_18 = arith.extui %eq3A_17 : i1 to i32
    %cond3A_19 = arith.constant 0 : i32
    %cond3A_20 = arith.cmpi ne, %convert_element_type3A_18, %cond3A_19 : i32
    scf.if %cond3A_20 {
      "tpu.region"() ({
        %run_scoped3A = tpu.sem_alloc : memref<!tpu.dma_semaphore, #tpu.memory_space<semaphore_mem>>
        %dma_start3A = arith.constant 0 : i32
        %dma_start3A_21 = tpu.memref_slice %arg8[%mul3A_2, %dma_start3A] : memref<10112x128xf32, #tpu.memory_space<hbm>> -> memref<632x128xf32, #tpu.memory_space<hbm>>
        %dma_start3A_22 = arith.constant 0 : i32
        %dma_start3A_23 = tpu.memref_slice %arg12[%mul3A_2, %dma_start3A_22] : memref<10112x128xf32, #tpu.memory_space<vmem_shared>> -> memref<632x128xf32, #tpu.memory_space<vmem_shared>>
        tpu.enqueue_dma source(%dma_start3A_23 : memref<632x128xf32, #tpu.memory_space<vmem_shared>>) target(%dma_start3A_21 : memref<632x128xf32, #tpu.memory_space<hbm>>) target_semaphore(%run_scoped3A : memref<!tpu.dma_semaphore, #tpu.memory_space<semaphore_mem>>)
        %dma_wait3A = arith.constant 0 : i32
        %dma_wait3A_24 = tpu.memref_slice %arg8[%mul3A_2, %dma_wait3A] : memref<10112x128xf32, #tpu.memory_space<hbm>> -> memref<632x128xf32, #tpu.memory_space<hbm>>
        %dma_wait3A_25 = arith.constant 0 : i32
        %dma_wait3A_26 = tpu.memref_slice %arg12[%mul3A_2, %dma_wait3A_25] : memref<10112x128xf32, #tpu.memory_space<vmem_shared>> -> memref<632x128xf32, #tpu.memory_space<vmem_shared>>
        tpu.wait_dma2 semaphore(%run_scoped3A : memref<!tpu.dma_semaphore, #tpu.memory_space<semaphore_mem>>) src(%dma_wait3A_26 : memref<632x128xf32, #tpu.memory_space<vmem_shared>>) dst(%dma_wait3A_24 : memref<632x128xf32, #tpu.memory_space<hbm>>)
        tpu.yield
      }) : () -> ()
    } else {
    }
    return
  }
}

#map = affine_map<(d0, d1) -> (0, 0)>
#map1 = affine_map<(d0, d1) -> (0)>
module attributes {stable_mosaic.version = 14 : i64} {
  func.func @k(%arg0: i32, %arg1: i32, %arg2: memref<10000x128xf32, #tpu.memory_space<hbm>>, %arg3: memref<10000x128xf32, #tpu.memory_space<hbm>>, %arg4: memref<321536xi32, #tpu.memory_space<hbm>>, %arg5: memref<321536xi32, #tpu.memory_space<hbm>>, %arg6: memref<10112x128xf32, #tpu.memory_space<hbm>>, %arg7: memref<10112x128xf32, #tpu.memory_space<hbm>>, %arg8: memref<10112x128xf32, #tpu.memory_space<hbm>>, %arg9: memref<128xi32, #tpu.memory_space<vmem>>, %arg10: memref<128xi32, #tpu.memory_space<vmem>>, %arg11: memref<128x128xf32, #tpu.memory_space<vmem>>, %arg12: memref<10112x128xf32, #tpu.memory_space<vmem_shared>>, %arg13: memref<!tpu.dma_semaphore, #tpu.memory_space<semaphore_mem>>) attributes {dimension_semantics = [#tpu.dimension_semantics<core_parallel>, #tpu.dimension_semantics<subcore_parallel>], iteration_bounds = array<i64: 2, 16>, scalar_prefetch = 0 : i64, scratch_operands = 5 : i64, tpu.core_type = #tpu.core_type<sc_vector_subcore>, window_params = [{transform_indices = #map}, {transform_indices = #map}, {transform_indices = #map1}, {transform_indices = #map1}, {transform_indices = #map}, {transform_indices = #map}, {transform_indices = #map}]} {
    %mul3A = arith.constant 20096 : i32
    %mul3A_0 = arith.muli %arg1, %mul3A : i32
    %mul3A_1 = arith.constant 632 : i32
    %mul3A_2 = arith.muli %arg1, %mul3A_1 : i32
    "tpu.region"() ({
      %run_scoped3A = tpu.sem_alloc : memref<!tpu.dma_semaphore, #tpu.memory_space<semaphore_mem>>
      %dma_start3A = arith.constant 0 : i32
      %dma_start3A_21 = tpu.memref_slice %arg12[%mul3A_2, %dma_start3A] : memref<10112x128xf32, #tpu.memory_space<vmem_shared>> -> memref<632x128xf32, #tpu.memory_space<vmem_shared>>
      %dma_start3A_22 = arith.constant 0 : i32
      %dma_start3A_23 = tpu.memref_slice %arg6[%mul3A_2, %dma_start3A_22] : memref<10112x128xf32, #tpu.memory_space<hbm>> -> memref<632x128xf32, #tpu.memory_space<hbm>>
      tpu.enqueue_dma source(%dma_start3A_23 : memref<632x128xf32, #tpu.memory_space<hbm>>) target(%dma_start3A_21 : memref<632x128xf32, #tpu.memory_space<vmem_shared>>) target_semaphore(%run_scoped3A : memref<!tpu.dma_semaphore, #tpu.memory_space<semaphore_mem>>)
      %dma_wait3A = arith.constant 0 : i32
      %dma_wait3A_24 = tpu.memref_slice %arg12[%mul3A_2, %dma_wait3A] : memref<10112x128xf32, #tpu.memory_space<vmem_shared>> -> memref<632x128xf32, #tpu.memory_space<vmem_shared>>
      %dma_wait3A_25 = arith.constant 0 : i32
      %dma_wait3A_26 = tpu.memref_slice %arg6[%mul3A_2, %dma_wait3A_25] : memref<10112x128xf32, #tpu.memory_space<hbm>> -> memref<632x128xf32, #tpu.memory_space<hbm>>
      tpu.wait_dma2 semaphore(%run_scoped3A : memref<!tpu.dma_semaphore, #tpu.memory_space<semaphore_mem>>) src(%dma_wait3A_26 : memref<632x128xf32, #tpu.memory_space<hbm>>) dst(%dma_wait3A_24 : memref<632x128xf32, #tpu.memory_space<vmem_shared>>)
      tpu.yield
    }) : () -> ()
    %barrier3A = arith.constant 0 : index
    tpu.barrier barrier_id(%barrier3A)
    %eq3A = arith.constant 0 : i32
    %eq3A_3 = arith.cmpi eq, %arg0, %eq3A : i32
    %convert_element_type3A = arith.extui %eq3A_3 : i1 to i32
    %cond3A = arith.constant 0 : i32
    %cond3A_4 = arith.cmpi ne, %convert_element_type3A, %cond3A : i32
    scf.if %cond3A_4 {
      %scan3A = arith.constant 0 : i32
      %scan3A_21 = arith.constant 0 : i32
      %scan3A_22 = arith.constant 157 : i32
      %scan3A_23 = arith.addi %scan3A_21, %scan3A_22 : i32
      %scan3A_24 = arith.constant 1 : i32
      scf.for %scan3A_26 = %scan3A_21 to %scan3A_23 step %scan3A_24  : i32 {
        %mul3A_27 = arith.constant 128 : i32
        %mul3A_28 = arith.muli %scan3A_26, %mul3A_27 : i32
        %add3A = arith.addi %mul3A_0, %mul3A_28 : i32
        "tpu.region"() ({
          %run_scoped3A = tpu.sem_alloc : memref<!tpu.dma_semaphore, #tpu.memory_space<semaphore_mem>>
          %dma_start3A_33 = tpu.memref_slice %arg4[%add3A] : memref<321536xi32, #tpu.memory_space<hbm>> -> memref<128xi32, #tpu.memory_space<hbm>>
          %dma_start3A_34 = tpu.memref_slice %arg4[%add3A] : memref<321536xi32, #tpu.memory_space<hbm>> -> memref<128xi32, #tpu.memory_space<hbm>>
          tpu.enqueue_dma source(%dma_start3A_34 : memref<128xi32, #tpu.memory_space<hbm>>) target(%arg9 : memref<128xi32, #tpu.memory_space<vmem>>) target_semaphore(%run_scoped3A : memref<!tpu.dma_semaphore, #tpu.memory_space<semaphore_mem>>)
          %dma_wait3A_35 = tpu.memref_slice %arg4[%add3A] : memref<321536xi32, #tpu.memory_space<hbm>> -> memref<128xi32, #tpu.memory_space<hbm>>
          %dma_wait3A_36 = tpu.memref_slice %arg4[%add3A] : memref<321536xi32, #tpu.memory_space<hbm>> -> memref<128xi32, #tpu.memory_space<hbm>>
          tpu.wait_dma2 semaphore(%run_scoped3A : memref<!tpu.dma_semaphore, #tpu.memory_space<semaphore_mem>>) src(%dma_wait3A_36 : memref<128xi32, #tpu.memory_space<hbm>>) dst(%arg9 : memref<128xi32, #tpu.memory_space<vmem>>)
          tpu.yield
        }) : () -> ()
        "tpu.region"() ({
          %run_scoped3A = tpu.sem_alloc : memref<!tpu.dma_semaphore, #tpu.memory_space<semaphore_mem>>
          %dma_start3A_33 = tpu.memref_slice %arg5[%add3A] : memref<321536xi32, #tpu.memory_space<hbm>> -> memref<128xi32, #tpu.memory_space<hbm>>
          %dma_start3A_34 = tpu.memref_slice %arg5[%add3A] : memref<321536xi32, #tpu.memory_space<hbm>> -> memref<128xi32, #tpu.memory_space<hbm>>
          tpu.enqueue_dma source(%dma_start3A_34 : memref<128xi32, #tpu.memory_space<hbm>>) target(%arg10 : memref<128xi32, #tpu.memory_space<vmem>>) target_semaphore(%run_scoped3A : memref<!tpu.dma_semaphore, #tpu.memory_space<semaphore_mem>>)
          %dma_wait3A_35 = tpu.memref_slice %arg5[%add3A] : memref<321536xi32, #tpu.memory_space<hbm>> -> memref<128xi32, #tpu.memory_space<hbm>>
          %dma_wait3A_36 = tpu.memref_slice %arg5[%add3A] : memref<321536xi32, #tpu.memory_space<hbm>> -> memref<128xi32, #tpu.memory_space<hbm>>
          tpu.wait_dma2 semaphore(%run_scoped3A : memref<!tpu.dma_semaphore, #tpu.memory_space<semaphore_mem>>) src(%dma_wait3A_36 : memref<128xi32, #tpu.memory_space<hbm>>) dst(%arg10 : memref<128xi32, #tpu.memory_space<vmem>>)
          tpu.yield
        }) : () -> ()
        %dma_start3A = arith.constant 0 : i32
        %dma_start3A_29 = arith.constant 0 : i32
        %dma_start3A_30 = tpu.memref_slice %arg2[%dma_start3A, %dma_start3A_29] : memref<10000x128xf32, #tpu.memory_space<hbm>> -> memref<10000x128xf32, #tpu.memory_space<hbm>>
        tpu.enqueue_indirect_dma source(%dma_start3A_30 : memref<10000x128xf32, #tpu.memory_space<hbm>>) target(%arg11 : memref<128x128xf32, #tpu.memory_space<vmem>>) offsets(%arg9 : memref<128xi32, #tpu.memory_space<vmem>>) semaphore(%arg13 : memref<!tpu.dma_semaphore, #tpu.memory_space<semaphore_mem>>)
        %dma_wait3A = arith.constant 0 : i32
        %dma_wait3A_31 = arith.constant 0 : i32
        %dma_wait3A_32 = tpu.memref_slice %arg2[%dma_wait3A, %dma_wait3A_31] : memref<10000x128xf32, #tpu.memory_space<hbm>> -> memref<10000x128xf32, #tpu.memory_space<hbm>>
        tpu.wait_indirect_dma semaphore(%arg13 : memref<!tpu.dma_semaphore, #tpu.memory_space<semaphore_mem>>) src(%dma_wait3A_32 : memref<10000x128xf32, #tpu.memory_space<hbm>>) dst(%arg11 : memref<128x128xf32, #tpu.memory_space<vmem>>)
        "tpu.region"() ({
          %run_scoped3A = tpu.sem_alloc : memref<!tpu.dma_semaphore, #tpu.memory_space<semaphore_mem>>
          %dma_start3A_33 = arith.constant 0 : i32
          %dma_start3A_34 = arith.constant 0 : i32
          %dma_start3A_35 = tpu.memref_slice %arg12[%dma_start3A_33, %dma_start3A_34] : memref<10112x128xf32, #tpu.memory_space<vmem_shared>> -> memref<10112x128xf32, #tpu.memory_space<vmem_shared>>
          tpu.enqueue_indirect_dma source(%arg11 : memref<128x128xf32, #tpu.memory_space<vmem>>) target(%dma_start3A_35 : memref<10112x128xf32, #tpu.memory_space<vmem_shared>>) offsets(%arg10 : memref<128xi32, #tpu.memory_space<vmem>>) semaphore(%run_scoped3A : memref<!tpu.dma_semaphore, #tpu.memory_space<semaphore_mem>>) {add = true}
          %dma_wait3A_36 = arith.constant 0 : i32
          %dma_wait3A_37 = arith.constant 0 : i32
          %dma_wait3A_38 = tpu.memref_slice %arg12[%dma_wait3A_36, %dma_wait3A_37] : memref<10112x128xf32, #tpu.memory_space<vmem_shared>> -> memref<10112x128xf32, #tpu.memory_space<vmem_shared>>
          tpu.wait_indirect_dma semaphore(%run_scoped3A : memref<!tpu.dma_semaphore, #tpu.memory_space<semaphore_mem>>) src(%arg11 : memref<128x128xf32, #tpu.memory_space<vmem>>) dst(%dma_wait3A_38 : memref<10112x128xf32, #tpu.memory_space<vmem_shared>>)
          tpu.yield
        }) : () -> ()
      }
      %scan3A_25 = arith.constant 157 : i32
    } else {
    }
    %eq3A_5 = arith.constant 1 : i32
    %eq3A_6 = arith.cmpi eq, %arg0, %eq3A_5 : i32
    %convert_element_type3A_7 = arith.extui %eq3A_6 : i1 to i32
    %cond3A_8 = arith.constant 0 : i32
    %cond3A_9 = arith.cmpi ne, %convert_element_type3A_7, %cond3A_8 : i32
    scf.if %cond3A_9 {
      %scan3A = arith.constant 0 : i32
      %scan3A_21 = arith.constant 0 : i32
      %scan3A_22 = arith.constant 157 : i32
      %scan3A_23 = arith.addi %scan3A_21, %scan3A_22 : i32
      %scan3A_24 = arith.constant 1 : i32
      scf.for %scan3A_26 = %scan3A_21 to %scan3A_23 step %scan3A_24  : i32 {
        %mul3A_27 = arith.constant 128 : i32
        %mul3A_28 = arith.muli %scan3A_26, %mul3A_27 : i32
        %add3A = arith.addi %mul3A_0, %mul3A_28 : i32
        "tpu.region"() ({
          %run_scoped3A = tpu.sem_alloc : memref<!tpu.dma_semaphore, #tpu.memory_space<semaphore_mem>>
          %dma_start3A_33 = tpu.memref_slice %arg4[%add3A] : memref<321536xi32, #tpu.memory_space<hbm>> -> memref<128xi32, #tpu.memory_space<hbm>>
          %dma_start3A_34 = tpu.memref_slice %arg4[%add3A] : memref<321536xi32, #tpu.memory_space<hbm>> -> memref<128xi32, #tpu.memory_space<hbm>>
          tpu.enqueue_dma source(%dma_start3A_34 : memref<128xi32, #tpu.memory_space<hbm>>) target(%arg9 : memref<128xi32, #tpu.memory_space<vmem>>) target_semaphore(%run_scoped3A : memref<!tpu.dma_semaphore, #tpu.memory_space<semaphore_mem>>)
          %dma_wait3A_35 = tpu.memref_slice %arg4[%add3A] : memref<321536xi32, #tpu.memory_space<hbm>> -> memref<128xi32, #tpu.memory_space<hbm>>
          %dma_wait3A_36 = tpu.memref_slice %arg4[%add3A] : memref<321536xi32, #tpu.memory_space<hbm>> -> memref<128xi32, #tpu.memory_space<hbm>>
          tpu.wait_dma2 semaphore(%run_scoped3A : memref<!tpu.dma_semaphore, #tpu.memory_space<semaphore_mem>>) src(%dma_wait3A_36 : memref<128xi32, #tpu.memory_space<hbm>>) dst(%arg9 : memref<128xi32, #tpu.memory_space<vmem>>)
          tpu.yield
        }) : () -> ()
        "tpu.region"() ({
          %run_scoped3A = tpu.sem_alloc : memref<!tpu.dma_semaphore, #tpu.memory_space<semaphore_mem>>
          %dma_start3A_33 = tpu.memref_slice %arg5[%add3A] : memref<321536xi32, #tpu.memory_space<hbm>> -> memref<128xi32, #tpu.memory_space<hbm>>
          %dma_start3A_34 = tpu.memref_slice %arg5[%add3A] : memref<321536xi32, #tpu.memory_space<hbm>> -> memref<128xi32, #tpu.memory_space<hbm>>
          tpu.enqueue_dma source(%dma_start3A_34 : memref<128xi32, #tpu.memory_space<hbm>>) target(%arg10 : memref<128xi32, #tpu.memory_space<vmem>>) target_semaphore(%run_scoped3A : memref<!tpu.dma_semaphore, #tpu.memory_space<semaphore_mem>>)
          %dma_wait3A_35 = tpu.memref_slice %arg5[%add3A] : memref<321536xi32, #tpu.memory_space<hbm>> -> memref<128xi32, #tpu.memory_space<hbm>>
          %dma_wait3A_36 = tpu.memref_slice %arg5[%add3A] : memref<321536xi32, #tpu.memory_space<hbm>> -> memref<128xi32, #tpu.memory_space<hbm>>
          tpu.wait_dma2 semaphore(%run_scoped3A : memref<!tpu.dma_semaphore, #tpu.memory_space<semaphore_mem>>) src(%dma_wait3A_36 : memref<128xi32, #tpu.memory_space<hbm>>) dst(%arg10 : memref<128xi32, #tpu.memory_space<vmem>>)
          tpu.yield
        }) : () -> ()
        %dma_start3A = arith.constant 0 : i32
        %dma_start3A_29 = arith.constant 0 : i32
        %dma_start3A_30 = tpu.memref_slice %arg3[%dma_start3A, %dma_start3A_29] : memref<10000x128xf32, #tpu.memory_space<hbm>> -> memref<10000x128xf32, #tpu.memory_space<hbm>>
        tpu.enqueue_indirect_dma source(%dma_start3A_30 : memref<10000x128xf32, #tpu.memory_space<hbm>>) target(%arg11 : memref<128x128xf32, #tpu.memory_space<vmem>>) offsets(%arg9 : memref<128xi32, #tpu.memory_space<vmem>>) semaphore(%arg13 : memref<!tpu.dma_semaphore, #tpu.memory_space<semaphore_mem>>)
        %dma_wait3A = arith.constant 0 : i32
        %dma_wait3A_31 = arith.constant 0 : i32
        %dma_wait3A_32 = tpu.memref_slice %arg3[%dma_wait3A, %dma_wait3A_31] : memref<10000x128xf32, #tpu.memory_space<hbm>> -> memref<10000x128xf32, #tpu.memory_space<hbm>>
        tpu.wait_indirect_dma semaphore(%arg13 : memref<!tpu.dma_semaphore, #tpu.memory_space<semaphore_mem>>) src(%dma_wait3A_32 : memref<10000x128xf32, #tpu.memory_space<hbm>>) dst(%arg11 : memref<128x128xf32, #tpu.memory_space<vmem>>)
        "tpu.region"() ({
          %run_scoped3A = tpu.sem_alloc : memref<!tpu.dma_semaphore, #tpu.memory_space<semaphore_mem>>
          %dma_start3A_33 = arith.constant 0 : i32
          %dma_start3A_34 = arith.constant 0 : i32
          %dma_start3A_35 = tpu.memref_slice %arg12[%dma_start3A_33, %dma_start3A_34] : memref<10112x128xf32, #tpu.memory_space<vmem_shared>> -> memref<10112x128xf32, #tpu.memory_space<vmem_shared>>
          tpu.enqueue_indirect_dma source(%arg11 : memref<128x128xf32, #tpu.memory_space<vmem>>) target(%dma_start3A_35 : memref<10112x128xf32, #tpu.memory_space<vmem_shared>>) offsets(%arg10 : memref<128xi32, #tpu.memory_space<vmem>>) semaphore(%run_scoped3A : memref<!tpu.dma_semaphore, #tpu.memory_space<semaphore_mem>>) {add = true}
          %dma_wait3A_36 = arith.constant 0 : i32
          %dma_wait3A_37 = arith.constant 0 : i32
          %dma_wait3A_38 = tpu.memref_slice %arg12[%dma_wait3A_36, %dma_wait3A_37] : memref<10112x128xf32, #tpu.memory_space<vmem_shared>> -> memref<10112x128xf32, #tpu.memory_space<vmem_shared>>
          tpu.wait_indirect_dma semaphore(%run_scoped3A : memref<!tpu.dma_semaphore, #tpu.memory_space<semaphore_mem>>) src(%arg11 : memref<128x128xf32, #tpu.memory_space<vmem>>) dst(%dma_wait3A_38 : memref<10112x128xf32, #tpu.memory_space<vmem_shared>>)
          tpu.yield
        }) : () -> ()
      }
      %scan3A_25 = arith.constant 157 : i32
    } else {
    }
    %barrier3A_10 = arith.constant 0 : index
    tpu.barrier barrier_id(%barrier3A_10)
    %eq3A_11 = arith.constant 0 : i32
    %eq3A_12 = arith.cmpi eq, %arg0, %eq3A_11 : i32
    %convert_element_type3A_13 = arith.extui %eq3A_12 : i1 to i32
    %cond3A_14 = arith.constant 0 : i32
    %cond3A_15 = arith.cmpi ne, %convert_element_type3A_13, %cond3A_14 : i32
    scf.if %cond3A_15 {
      "tpu.region"() ({
        %run_scoped3A = tpu.sem_alloc : memref<!tpu.dma_semaphore, #tpu.memory_space<semaphore_mem>>
        %dma_start3A = arith.constant 0 : i32
        %dma_start3A_21 = tpu.memref_slice %arg7[%mul3A_2, %dma_start3A] : memref<10112x128xf32, #tpu.memory_space<hbm>> -> memref<632x128xf32, #tpu.memory_space<hbm>>
        %dma_start3A_22 = arith.constant 0 : i32
        %dma_start3A_23 = tpu.memref_slice %arg12[%mul3A_2, %dma_start3A_22] : memref<10112x128xf32, #tpu.memory_space<vmem_shared>> -> memref<632x128xf32, #tpu.memory_space<vmem_shared>>
        tpu.enqueue_dma source(%dma_start3A_23 : memref<632x128xf32, #tpu.memory_space<vmem_shared>>) target(%dma_start3A_21 : memref<632x128xf32, #tpu.memory_space<hbm>>) target_semaphore(%run_scoped3A : memref<!tpu.dma_semaphore, #tpu.memory_space<semaphore_mem>>)
        %dma_wait3A = arith.constant 0 : i32
        %dma_wait3A_24 = tpu.memref_slice %arg7[%mul3A_2, %dma_wait3A] : memref<10112x128xf32, #tpu.memory_space<hbm>> -> memref<632x128xf32, #tpu.memory_space<hbm>>
        %dma_wait3A_25 = arith.constant 0 : i32
        %dma_wait3A_26 = tpu.memref_slice %arg12[%mul3A_2, %dma_wait3A_25] : memref<10112x128xf32, #tpu.memory_space<vmem_shared>> -> memref<632x128xf32, #tpu.memory_space<vmem_shared>>
        tpu.wait_dma2 semaphore(%run_scoped3A : memref<!tpu.dma_semaphore, #tpu.memory_space<semaphore_mem>>) src(%dma_wait3A_26 : memref<632x128xf32, #tpu.memory_space<vmem_shared>>) dst(%dma_wait3A_24 : memref<632x128xf32, #tpu.memory_space<hbm>>)
        tpu.yield
      }) : () -> ()
    } else {
    }
    %eq3A_16 = arith.constant 1 : i32
    %eq3A_17 = arith.cmpi eq, %arg0, %eq3A_16 : i32
    %convert_element_type3A_18 = arith.extui %eq3A_17 : i1 to i32
    %cond3A_19 = arith.constant 0 : i32
    %cond3A_20 = arith.cmpi ne, %convert_element_type3A_18, %cond3A_19 : i32
    scf.if %cond3A_20 {
      "tpu.region"() ({
        %run_scoped3A = tpu.sem_alloc : memref<!tpu.dma_semaphore, #tpu.memory_space<semaphore_mem>>
        %dma_start3A = arith.constant 0 : i32
        %dma_start3A_21 = tpu.memref_slice %arg8[%mul3A_2, %dma_start3A] : memref<10112x128xf32, #tpu.memory_space<hbm>> -> memref<632x128xf32, #tpu.memory_space<hbm>>
        %dma_start3A_22 = arith.constant 0 : i32
        %dma_start3A_23 = tpu.memref_slice %arg12[%mul3A_2, %dma_start3A_22] : memref<10112x128xf32, #tpu.memory_space<vmem_shared>> -> memref<632x128xf32, #tpu.memory_space<vmem_shared>>
        tpu.enqueue_dma source(%dma_start3A_23 : memref<632x128xf32, #tpu.memory_space<vmem_shared>>) target(%dma_start3A_21 : memref<632x128xf32, #tpu.memory_space<hbm>>) target_semaphore(%run_scoped3A : memref<!tpu.dma_semaphore, #tpu.memory_space<semaphore_mem>>)
        %dma_wait3A = arith.constant 0 : i32
        %dma_wait3A_24 = tpu.memref_slice %arg8[%mul3A_2, %dma_wait3A] : memref<10112x128xf32, #tpu.memory_space<hbm>> -> memref<632x128xf32, #tpu.memory_space<hbm>>
        %dma_wait3A_25 = arith.constant 0 : i32
        %dma_wait3A_26 = tpu.memref_slice %arg12[%mul3A_2, %dma_wait3A_25] : memref<10112x128xf32, #tpu.memory_space<vmem_shared>> -> memref<632x128xf32, #tpu.memory_space<vmem_shared>>
        tpu.wait_dma2 semaphore(%run_scoped3A : memref<!tpu.dma_semaphore, #tpu.memory_space<semaphore_mem>>) src(%dma_wait3A_26 : memref<632x128xf32, #tpu.memory_space<vmem_shared>>) dst(%dma_wait3A_24 : memref<632x128xf32, #tpu.memory_space<hbm>>)
        tpu.yield
      }) : () -> ()
    } else {
    }
    return
  }
}

#map = affine_map<(d0, d1) -> (0, 0)>
#map1 = affine_map<(d0, d1) -> (0)>
module attributes {stable_mosaic.version = 14 : i64} {
  func.func @k(%arg0: i32, %arg1: i32, %arg2: memref<10000x128xf32, #tpu.memory_space<hbm>>, %arg3: memref<10000x128xf32, #tpu.memory_space<hbm>>, %arg4: memref<321536xi32, #tpu.memory_space<hbm>>, %arg5: memref<321536xi32, #tpu.memory_space<hbm>>, %arg6: memref<10112x128xf32, #tpu.memory_space<hbm>>, %arg7: memref<10112x128xf32, #tpu.memory_space<hbm>>, %arg8: memref<10112x128xf32, #tpu.memory_space<hbm>>, %arg9: memref<128xi32, #tpu.memory_space<vmem>>, %arg10: memref<128xi32, #tpu.memory_space<vmem>>, %arg11: memref<128x128xf32, #tpu.memory_space<vmem>>, %arg12: memref<10112x128xf32, #tpu.memory_space<vmem_shared>>, %arg13: memref<!tpu.dma_semaphore, #tpu.memory_space<semaphore_mem>>) attributes {dimension_semantics = [#tpu.dimension_semantics<core_parallel>, #tpu.dimension_semantics<subcore_parallel>], iteration_bounds = array<i64: 2, 16>, scalar_prefetch = 0 : i64, scratch_operands = 5 : i64, tpu.core_type = #tpu.core_type<sc_vector_subcore>, window_params = [{transform_indices = #map}, {transform_indices = #map}, {transform_indices = #map1}, {transform_indices = #map1}, {transform_indices = #map}, {transform_indices = #map}, {transform_indices = #map}]} {
    %mul3A = arith.constant 20096 : i32
    %mul3A_0 = arith.muli %arg1, %mul3A : i32
    %mul3A_1 = arith.constant 632 : i32
    %mul3A_2 = arith.muli %arg1, %mul3A_1 : i32
    "tpu.region"() ({
      %run_scoped3A = tpu.sem_alloc : memref<!tpu.dma_semaphore, #tpu.memory_space<semaphore_mem>>
      %dma_start3A = arith.constant 0 : i32
      %dma_start3A_21 = tpu.memref_slice %arg12[%mul3A_2, %dma_start3A] : memref<10112x128xf32, #tpu.memory_space<vmem_shared>> -> memref<632x128xf32, #tpu.memory_space<vmem_shared>>
      %dma_start3A_22 = arith.constant 0 : i32
      %dma_start3A_23 = tpu.memref_slice %arg6[%mul3A_2, %dma_start3A_22] : memref<10112x128xf32, #tpu.memory_space<hbm>> -> memref<632x128xf32, #tpu.memory_space<hbm>>
      tpu.enqueue_dma source(%dma_start3A_23 : memref<632x128xf32, #tpu.memory_space<hbm>>) target(%dma_start3A_21 : memref<632x128xf32, #tpu.memory_space<vmem_shared>>) target_semaphore(%run_scoped3A : memref<!tpu.dma_semaphore, #tpu.memory_space<semaphore_mem>>)
      %dma_wait3A = arith.constant 0 : i32
      %dma_wait3A_24 = tpu.memref_slice %arg12[%mul3A_2, %dma_wait3A] : memref<10112x128xf32, #tpu.memory_space<vmem_shared>> -> memref<632x128xf32, #tpu.memory_space<vmem_shared>>
      %dma_wait3A_25 = arith.constant 0 : i32
      %dma_wait3A_26 = tpu.memref_slice %arg6[%mul3A_2, %dma_wait3A_25] : memref<10112x128xf32, #tpu.memory_space<hbm>> -> memref<632x128xf32, #tpu.memory_space<hbm>>
      tpu.wait_dma2 semaphore(%run_scoped3A : memref<!tpu.dma_semaphore, #tpu.memory_space<semaphore_mem>>) src(%dma_wait3A_26 : memref<632x128xf32, #tpu.memory_space<hbm>>) dst(%dma_wait3A_24 : memref<632x128xf32, #tpu.memory_space<vmem_shared>>)
      tpu.yield
    }) : () -> ()
    %barrier3A = arith.constant 0 : index
    tpu.barrier barrier_id(%barrier3A)
    %eq3A = arith.constant 0 : i32
    %eq3A_3 = arith.cmpi eq, %arg0, %eq3A : i32
    %convert_element_type3A = arith.extui %eq3A_3 : i1 to i32
    %cond3A = arith.constant 0 : i32
    %cond3A_4 = arith.cmpi ne, %convert_element_type3A, %cond3A : i32
    scf.if %cond3A_4 {
      %scan3A = arith.constant 0 : i32
      %scan3A_21 = arith.constant 0 : i32
      %scan3A_22 = arith.constant 157 : i32
      %scan3A_23 = arith.addi %scan3A_21, %scan3A_22 : i32
      %scan3A_24 = arith.constant 1 : i32
      scf.for %scan3A_26 = %scan3A_21 to %scan3A_23 step %scan3A_24  : i32 {
        %mul3A_27 = arith.constant 128 : i32
        %mul3A_28 = arith.muli %scan3A_26, %mul3A_27 : i32
        %add3A = arith.addi %mul3A_0, %mul3A_28 : i32
        "tpu.region"() ({
          %run_scoped3A = tpu.sem_alloc : memref<!tpu.dma_semaphore, #tpu.memory_space<semaphore_mem>>
          %dma_start3A_33 = tpu.memref_slice %arg4[%add3A] : memref<321536xi32, #tpu.memory_space<hbm>> -> memref<128xi32, #tpu.memory_space<hbm>>
          %dma_start3A_34 = tpu.memref_slice %arg4[%add3A] : memref<321536xi32, #tpu.memory_space<hbm>> -> memref<128xi32, #tpu.memory_space<hbm>>
          tpu.enqueue_dma source(%dma_start3A_34 : memref<128xi32, #tpu.memory_space<hbm>>) target(%arg9 : memref<128xi32, #tpu.memory_space<vmem>>) target_semaphore(%run_scoped3A : memref<!tpu.dma_semaphore, #tpu.memory_space<semaphore_mem>>)
          %dma_wait3A_35 = tpu.memref_slice %arg4[%add3A] : memref<321536xi32, #tpu.memory_space<hbm>> -> memref<128xi32, #tpu.memory_space<hbm>>
          %dma_wait3A_36 = tpu.memref_slice %arg4[%add3A] : memref<321536xi32, #tpu.memory_space<hbm>> -> memref<128xi32, #tpu.memory_space<hbm>>
          tpu.wait_dma2 semaphore(%run_scoped3A : memref<!tpu.dma_semaphore, #tpu.memory_space<semaphore_mem>>) src(%dma_wait3A_36 : memref<128xi32, #tpu.memory_space<hbm>>) dst(%arg9 : memref<128xi32, #tpu.memory_space<vmem>>)
          tpu.yield
        }) : () -> ()
        "tpu.region"() ({
          %run_scoped3A = tpu.sem_alloc : memref<!tpu.dma_semaphore, #tpu.memory_space<semaphore_mem>>
          %dma_start3A_33 = tpu.memref_slice %arg5[%add3A] : memref<321536xi32, #tpu.memory_space<hbm>> -> memref<128xi32, #tpu.memory_space<hbm>>
          %dma_start3A_34 = tpu.memref_slice %arg5[%add3A] : memref<321536xi32, #tpu.memory_space<hbm>> -> memref<128xi32, #tpu.memory_space<hbm>>
          tpu.enqueue_dma source(%dma_start3A_34 : memref<128xi32, #tpu.memory_space<hbm>>) target(%arg10 : memref<128xi32, #tpu.memory_space<vmem>>) target_semaphore(%run_scoped3A : memref<!tpu.dma_semaphore, #tpu.memory_space<semaphore_mem>>)
          %dma_wait3A_35 = tpu.memref_slice %arg5[%add3A] : memref<321536xi32, #tpu.memory_space<hbm>> -> memref<128xi32, #tpu.memory_space<hbm>>
          %dma_wait3A_36 = tpu.memref_slice %arg5[%add3A] : memref<321536xi32, #tpu.memory_space<hbm>> -> memref<128xi32, #tpu.memory_space<hbm>>
          tpu.wait_dma2 semaphore(%run_scoped3A : memref<!tpu.dma_semaphore, #tpu.memory_space<semaphore_mem>>) src(%dma_wait3A_36 : memref<128xi32, #tpu.memory_space<hbm>>) dst(%arg10 : memref<128xi32, #tpu.memory_space<vmem>>)
          tpu.yield
        }) : () -> ()
        %dma_start3A = arith.constant 0 : i32
        %dma_start3A_29 = arith.constant 0 : i32
        %dma_start3A_30 = tpu.memref_slice %arg2[%dma_start3A, %dma_start3A_29] : memref<10000x128xf32, #tpu.memory_space<hbm>> -> memref<10000x128xf32, #tpu.memory_space<hbm>>
        tpu.enqueue_indirect_dma source(%dma_start3A_30 : memref<10000x128xf32, #tpu.memory_space<hbm>>) target(%arg11 : memref<128x128xf32, #tpu.memory_space<vmem>>) offsets(%arg9 : memref<128xi32, #tpu.memory_space<vmem>>) semaphore(%arg13 : memref<!tpu.dma_semaphore, #tpu.memory_space<semaphore_mem>>)
        %dma_wait3A = arith.constant 0 : i32
        %dma_wait3A_31 = arith.constant 0 : i32
        %dma_wait3A_32 = tpu.memref_slice %arg2[%dma_wait3A, %dma_wait3A_31] : memref<10000x128xf32, #tpu.memory_space<hbm>> -> memref<10000x128xf32, #tpu.memory_space<hbm>>
        tpu.wait_indirect_dma semaphore(%arg13 : memref<!tpu.dma_semaphore, #tpu.memory_space<semaphore_mem>>) src(%dma_wait3A_32 : memref<10000x128xf32, #tpu.memory_space<hbm>>) dst(%arg11 : memref<128x128xf32, #tpu.memory_space<vmem>>)
        "tpu.region"() ({
          %run_scoped3A = tpu.sem_alloc : memref<!tpu.dma_semaphore, #tpu.memory_space<semaphore_mem>>
          %dma_start3A_33 = arith.constant 0 : i32
          %dma_start3A_34 = arith.constant 0 : i32
          %dma_start3A_35 = tpu.memref_slice %arg12[%dma_start3A_33, %dma_start3A_34] : memref<10112x128xf32, #tpu.memory_space<vmem_shared>> -> memref<10112x128xf32, #tpu.memory_space<vmem_shared>>
          tpu.enqueue_indirect_dma source(%arg11 : memref<128x128xf32, #tpu.memory_space<vmem>>) target(%dma_start3A_35 : memref<10112x128xf32, #tpu.memory_space<vmem_shared>>) offsets(%arg10 : memref<128xi32, #tpu.memory_space<vmem>>) semaphore(%run_scoped3A : memref<!tpu.dma_semaphore, #tpu.memory_space<semaphore_mem>>) {add = true}
          %dma_wait3A_36 = arith.constant 0 : i32
          %dma_wait3A_37 = arith.constant 0 : i32
          %dma_wait3A_38 = tpu.memref_slice %arg12[%dma_wait3A_36, %dma_wait3A_37] : memref<10112x128xf32, #tpu.memory_space<vmem_shared>> -> memref<10112x128xf32, #tpu.memory_space<vmem_shared>>
          tpu.wait_indirect_dma semaphore(%run_scoped3A : memref<!tpu.dma_semaphore, #tpu.memory_space<semaphore_mem>>) src(%arg11 : memref<128x128xf32, #tpu.memory_space<vmem>>) dst(%dma_wait3A_38 : memref<10112x128xf32, #tpu.memory_space<vmem_shared>>)
          tpu.yield
        }) : () -> ()
      }
      %scan3A_25 = arith.constant 157 : i32
    } else {
    }
    %eq3A_5 = arith.constant 1 : i32
    %eq3A_6 = arith.cmpi eq, %arg0, %eq3A_5 : i32
    %convert_element_type3A_7 = arith.extui %eq3A_6 : i1 to i32
    %cond3A_8 = arith.constant 0 : i32
    %cond3A_9 = arith.cmpi ne, %convert_element_type3A_7, %cond3A_8 : i32
    scf.if %cond3A_9 {
      %scan3A = arith.constant 0 : i32
      %scan3A_21 = arith.constant 0 : i32
      %scan3A_22 = arith.constant 157 : i32
      %scan3A_23 = arith.addi %scan3A_21, %scan3A_22 : i32
      %scan3A_24 = arith.constant 1 : i32
      scf.for %scan3A_26 = %scan3A_21 to %scan3A_23 step %scan3A_24  : i32 {
        %mul3A_27 = arith.constant 128 : i32
        %mul3A_28 = arith.muli %scan3A_26, %mul3A_27 : i32
        %add3A = arith.addi %mul3A_0, %mul3A_28 : i32
        "tpu.region"() ({
          %run_scoped3A = tpu.sem_alloc : memref<!tpu.dma_semaphore, #tpu.memory_space<semaphore_mem>>
          %dma_start3A_33 = tpu.memref_slice %arg4[%add3A] : memref<321536xi32, #tpu.memory_space<hbm>> -> memref<128xi32, #tpu.memory_space<hbm>>
          %dma_start3A_34 = tpu.memref_slice %arg4[%add3A] : memref<321536xi32, #tpu.memory_space<hbm>> -> memref<128xi32, #tpu.memory_space<hbm>>
          tpu.enqueue_dma source(%dma_start3A_34 : memref<128xi32, #tpu.memory_space<hbm>>) target(%arg9 : memref<128xi32, #tpu.memory_space<vmem>>) target_semaphore(%run_scoped3A : memref<!tpu.dma_semaphore, #tpu.memory_space<semaphore_mem>>)
          %dma_wait3A_35 = tpu.memref_slice %arg4[%add3A] : memref<321536xi32, #tpu.memory_space<hbm>> -> memref<128xi32, #tpu.memory_space<hbm>>
          %dma_wait3A_36 = tpu.memref_slice %arg4[%add3A] : memref<321536xi32, #tpu.memory_space<hbm>> -> memref<128xi32, #tpu.memory_space<hbm>>
          tpu.wait_dma2 semaphore(%run_scoped3A : memref<!tpu.dma_semaphore, #tpu.memory_space<semaphore_mem>>) src(%dma_wait3A_36 : memref<128xi32, #tpu.memory_space<hbm>>) dst(%arg9 : memref<128xi32, #tpu.memory_space<vmem>>)
          tpu.yield
        }) : () -> ()
        "tpu.region"() ({
          %run_scoped3A = tpu.sem_alloc : memref<!tpu.dma_semaphore, #tpu.memory_space<semaphore_mem>>
          %dma_start3A_33 = tpu.memref_slice %arg5[%add3A] : memref<321536xi32, #tpu.memory_space<hbm>> -> memref<128xi32, #tpu.memory_space<hbm>>
          %dma_start3A_34 = tpu.memref_slice %arg5[%add3A] : memref<321536xi32, #tpu.memory_space<hbm>> -> memref<128xi32, #tpu.memory_space<hbm>>
          tpu.enqueue_dma source(%dma_start3A_34 : memref<128xi32, #tpu.memory_space<hbm>>) target(%arg10 : memref<128xi32, #tpu.memory_space<vmem>>) target_semaphore(%run_scoped3A : memref<!tpu.dma_semaphore, #tpu.memory_space<semaphore_mem>>)
          %dma_wait3A_35 = tpu.memref_slice %arg5[%add3A] : memref<321536xi32, #tpu.memory_space<hbm>> -> memref<128xi32, #tpu.memory_space<hbm>>
          %dma_wait3A_36 = tpu.memref_slice %arg5[%add3A] : memref<321536xi32, #tpu.memory_space<hbm>> -> memref<128xi32, #tpu.memory_space<hbm>>
          tpu.wait_dma2 semaphore(%run_scoped3A : memref<!tpu.dma_semaphore, #tpu.memory_space<semaphore_mem>>) src(%dma_wait3A_36 : memref<128xi32, #tpu.memory_space<hbm>>) dst(%arg10 : memref<128xi32, #tpu.memory_space<vmem>>)
          tpu.yield
        }) : () -> ()
        %dma_start3A = arith.constant 0 : i32
        %dma_start3A_29 = arith.constant 0 : i32
        %dma_start3A_30 = tpu.memref_slice %arg3[%dma_start3A, %dma_start3A_29] : memref<10000x128xf32, #tpu.memory_space<hbm>> -> memref<10000x128xf32, #tpu.memory_space<hbm>>
        tpu.enqueue_indirect_dma source(%dma_start3A_30 : memref<10000x128xf32, #tpu.memory_space<hbm>>) target(%arg11 : memref<128x128xf32, #tpu.memory_space<vmem>>) offsets(%arg9 : memref<128xi32, #tpu.memory_space<vmem>>) semaphore(%arg13 : memref<!tpu.dma_semaphore, #tpu.memory_space<semaphore_mem>>)
        %dma_wait3A = arith.constant 0 : i32
        %dma_wait3A_31 = arith.constant 0 : i32
        %dma_wait3A_32 = tpu.memref_slice %arg3[%dma_wait3A, %dma_wait3A_31] : memref<10000x128xf32, #tpu.memory_space<hbm>> -> memref<10000x128xf32, #tpu.memory_space<hbm>>
        tpu.wait_indirect_dma semaphore(%arg13 : memref<!tpu.dma_semaphore, #tpu.memory_space<semaphore_mem>>) src(%dma_wait3A_32 : memref<10000x128xf32, #tpu.memory_space<hbm>>) dst(%arg11 : memref<128x128xf32, #tpu.memory_space<vmem>>)
        "tpu.region"() ({
          %run_scoped3A = tpu.sem_alloc : memref<!tpu.dma_semaphore, #tpu.memory_space<semaphore_mem>>
          %dma_start3A_33 = arith.constant 0 : i32
          %dma_start3A_34 = arith.constant 0 : i32
          %dma_start3A_35 = tpu.memref_slice %arg12[%dma_start3A_33, %dma_start3A_34] : memref<10112x128xf32, #tpu.memory_space<vmem_shared>> -> memref<10112x128xf32, #tpu.memory_space<vmem_shared>>
          tpu.enqueue_indirect_dma source(%arg11 : memref<128x128xf32, #tpu.memory_space<vmem>>) target(%dma_start3A_35 : memref<10112x128xf32, #tpu.memory_space<vmem_shared>>) offsets(%arg10 : memref<128xi32, #tpu.memory_space<vmem>>) semaphore(%run_scoped3A : memref<!tpu.dma_semaphore, #tpu.memory_space<semaphore_mem>>) {add = true}
          %dma_wait3A_36 = arith.constant 0 : i32
          %dma_wait3A_37 = arith.constant 0 : i32
          %dma_wait3A_38 = tpu.memref_slice %arg12[%dma_wait3A_36, %dma_wait3A_37] : memref<10112x128xf32, #tpu.memory_space<vmem_shared>> -> memref<10112x128xf32, #tpu.memory_space<vmem_shared>>
          tpu.wait_indirect_dma semaphore(%run_scoped3A : memref<!tpu.dma_semaphore, #tpu.memory_space<semaphore_mem>>) src(%arg11 : memref<128x128xf32, #tpu.memory_space<vmem>>) dst(%dma_wait3A_38 : memref<10112x128xf32, #tpu.memory_space<vmem_shared>>)
          tpu.yield
        }) : () -> ()
      }
      %scan3A_25 = arith.constant 157 : i32
    } else {
    }
    %barrier3A_10 = arith.constant 0 : index
    tpu.barrier barrier_id(%barrier3A_10)
    %eq3A_11 = arith.constant 0 : i32
    %eq3A_12 = arith.cmpi eq, %arg0, %eq3A_11 : i32
    %convert_element_type3A_13 = arith.extui %eq3A_12 : i1 to i32
    %cond3A_14 = arith.constant 0 : i32
    %cond3A_15 = arith.cmpi ne, %convert_element_type3A_13, %cond3A_14 : i32
    scf.if %cond3A_15 {
      "tpu.region"() ({
        %run_scoped3A = tpu.sem_alloc : memref<!tpu.dma_semaphore, #tpu.memory_space<semaphore_mem>>
        %dma_start3A = arith.constant 0 : i32
        %dma_start3A_21 = tpu.memref_slice %arg7[%mul3A_2, %dma_start3A] : memref<10112x128xf32, #tpu.memory_space<hbm>> -> memref<632x128xf32, #tpu.memory_space<hbm>>
        %dma_start3A_22 = arith.constant 0 : i32
        %dma_start3A_23 = tpu.memref_slice %arg12[%mul3A_2, %dma_start3A_22] : memref<10112x128xf32, #tpu.memory_space<vmem_shared>> -> memref<632x128xf32, #tpu.memory_space<vmem_shared>>
        tpu.enqueue_dma source(%dma_start3A_23 : memref<632x128xf32, #tpu.memory_space<vmem_shared>>) target(%dma_start3A_21 : memref<632x128xf32, #tpu.memory_space<hbm>>) target_semaphore(%run_scoped3A : memref<!tpu.dma_semaphore, #tpu.memory_space<semaphore_mem>>)
        %dma_wait3A = arith.constant 0 : i32
        %dma_wait3A_24 = tpu.memref_slice %arg7[%mul3A_2, %dma_wait3A] : memref<10112x128xf32, #tpu.memory_space<hbm>> -> memref<632x128xf32, #tpu.memory_space<hbm>>
        %dma_wait3A_25 = arith.constant 0 : i32
        %dma_wait3A_26 = tpu.memref_slice %arg12[%mul3A_2, %dma_wait3A_25] : memref<10112x128xf32, #tpu.memory_space<vmem_shared>> -> memref<632x128xf32, #tpu.memory_space<vmem_shared>>
        tpu.wait_dma2 semaphore(%run_scoped3A : memref<!tpu.dma_semaphore, #tpu.memory_space<semaphore_mem>>) src(%dma_wait3A_26 : memref<632x128xf32, #tpu.memory_space<vmem_shared>>) dst(%dma_wait3A_24 : memref<632x128xf32, #tpu.memory_space<hbm>>)
        tpu.yield
      }) : () -> ()
    } else {
    }
    %eq3A_16 = arith.constant 1 : i32
    %eq3A_17 = arith.cmpi eq, %arg0, %eq3A_16 : i32
    %convert_element_type3A_18 = arith.extui %eq3A_17 : i1 to i32
    %cond3A_19 = arith.constant 0 : i32
    %cond3A_20 = arith.cmpi ne, %convert_element_type3A_18, %cond3A_19 : i32
    scf.if %cond3A_20 {
      "tpu.region"() ({
        %run_scoped3A = tpu.sem_alloc : memref<!tpu.dma_semaphore, #tpu.memory_space<semaphore_mem>>
        %dma_start3A = arith.constant 0 : i32
        %dma_start3A_21 = tpu.memref_slice %arg8[%mul3A_2, %dma_start3A] : memref<10112x128xf32, #tpu.memory_space<hbm>> -> memref<632x128xf32, #tpu.memory_space<hbm>>
        %dma_start3A_22 = arith.constant 0 : i32
        %dma_start3A_23 = tpu.memref_slice %arg12[%mul3A_2, %dma_start3A_22] : memref<10112x128xf32, #tpu.memory_space<vmem_shared>> -> memref<632x128xf32, #tpu.memory_space<vmem_shared>>
        tpu.enqueue_dma source(%dma_start3A_23 : memref<632x128xf32, #tpu.memory_space<vmem_shared>>) target(%dma_start3A_21 : memref<632x128xf32, #tpu.memory_space<hbm>>) target_semaphore(%run_scoped3A : memref<!tpu.dma_semaphore, #tpu.memory_space<semaphore_mem>>)
        %dma_wait3A = arith.constant 0 : i32
        %dma_wait3A_24 = tpu.memref_slice %arg8[%mul3A_2, %dma_wait3A] : memref<10112x128xf32, #tpu.memory_space<hbm>> -> memref<632x128xf32, #tpu.memory_space<hbm>>
        %dma_wait3A_25 = arith.constant 0 : i32
        %dma_wait3A_26 = tpu.memref_slice %arg12[%mul3A_2, %dma_wait3A_25] : memref<10112x128xf32, #tpu.memory_space<vmem_shared>> -> memref<632x128xf32, #tpu.memory_space<vmem_shared>>
        tpu.wait_dma2 semaphore(%run_scoped3A : memref<!tpu.dma_semaphore, #tpu.memory_space<semaphore_mem>>) src(%dma_wait3A_26 : memref<632x128xf32, #tpu.memory_space<vmem_shared>>) dst(%dma_wait3A_24 : memref<632x128xf32, #tpu.memory_space<hbm>>)
        tpu.yield
      }) : () -> ()
    } else {
    }
    return
  }
}

module attributes {stable_mosaic.version = 14 : i64} {
  func.func @_prep_body(%arg0: i32, %arg1: memref<1000x128xf32, #tpu.memory_space<vmem>>, %arg2: memref<128x128xf32, #tpu.memory_space<vmem>>, %arg3: memref<1x128xf32, #tpu.memory_space<vmem>>, %arg4: memref<1x1xf32, #tpu.memory_space<vmem>>, %arg5: memref<1000x128xf32, #tpu.memory_space<vmem>>, %arg6: memref<1000x128xf32, #tpu.memory_space<vmem>>, %arg7: memref<1000x128xf32, #tpu.memory_space<vmem>>) attributes {dimension_semantics = [#tpu.dimension_semantics<arbitrary>], iteration_bounds = array<i64: 10>, scalar_prefetch = 0 : i64, scratch_operands = 0 : i64, tpu.core_type = #tpu.core_type<tc>, window_params = [{transform_indices = @transform_0, window_bounds = array<i64: 1000, 128>}, {pipeline_mode = #tpu.pipeline_mode<synchronous>, transform_indices = @transform_1, window_bounds = array<i64: 128, 128>}, {pipeline_mode = #tpu.pipeline_mode<synchronous>, transform_indices = @transform_2, window_bounds = array<i64: 1, 128>}, {pipeline_mode = #tpu.pipeline_mode<synchronous>, transform_indices = @transform_3, window_bounds = array<i64: 1, 1>}, {transform_indices = @transform_4, window_bounds = array<i64: 1000, 128>}, {transform_indices = @transform_5, window_bounds = array<i64: 1000, 128>}, {transform_indices = @transform_6, window_bounds = array<i64: 1000, 128>}]} {
    %get3A = arith.constant 0 : index
    %get3A_0 = arith.constant 0 : index
    %get3A_1 = vector.load %arg1[%get3A, %get3A_0] : memref<1000x128xf32, #tpu.memory_space<vmem>>, vector<1000x128xf32>
    %get3A_2 = arith.constant 0 : index
    %get3A_3 = arith.constant 0 : index
    %get3A_4 = vector.load %arg2[%get3A_2, %get3A_3] : memref<128x128xf32, #tpu.memory_space<vmem>>, vector<128x128xf32>
    %dot_general3A = arith.constant dense<0.000000e+00> : vector<1000x128xf32>
    %dot_general3A_5 = tpu.matmul %get3A_1, %get3A_4, %dot_general3A {dimension_numbers = #tpu.dot_dimension_numbers<[1], [0], [0], [1], [0, 0, 1, 1], [], []>, transpose_lhs_hint = false} : vector<1000x128xf32>, vector<128x128xf32>, vector<1000x128xf32> -> vector<1000x128xf32>
    %get3A_6 = arith.constant 0 : index
    %get3A_7 = arith.constant 0 : index
    %get3A_8 = vector.load %arg3[%get3A_6, %get3A_7] : memref<1x128xf32, #tpu.memory_space<vmem>>, vector<1x128xf32>
    %add3A = vector.broadcast %get3A_8 : vector<1x128xf32> to vector<1000x128xf32>
    %add3A_9 = arith.addf %dot_general3A_5, %add3A : vector<1000x128xf32>
    %max3A = arith.constant 0.000000e+00 : f32
    %max3A_10 = vector.broadcast %max3A : f32 to vector<1000x128xf32>
    %max3A_11 = arith.maximumf %add3A_9, %max3A_10 : vector<1000x128xf32>
    %swap3A = arith.constant 0 : index
    %swap3A_12 = arith.constant 0 : index
    %swap3A_13 = vector.load %arg5[%swap3A, %swap3A_12] : memref<1000x128xf32, #tpu.memory_space<vmem>>, vector<1000x128xf32>
    tpu.vector_store %arg5[%swap3A, %swap3A_12], %max3A_11 {strides = array<i32>} : memref<1000x128xf32, #tpu.memory_space<vmem>>, vector<1000x128xf32>,
    %get3A_14 = arith.constant 0 : index
    %get3A_15 = arith.constant 0 : index
    %get3A_16 = vector.load %arg4[%get3A_14, %get3A_15] : memref<1x1xf32, #tpu.memory_space<vmem>>, vector<1x1xf32>
    %get3A_17 = vector.extract %get3A_16[0, 0] : f32 from vector<1x1xf32>
    %add3A_18 = arith.constant 1.000000e-07 : f32
    %add3A_19 = vector.broadcast %add3A_18 : f32 to vector<1000x128xf32>
    %add3A_20 = arith.addf %max3A_11, %add3A_19 : vector<1000x128xf32>
    %mul3A = vector.broadcast %get3A_17 : f32 to vector<1000x128xf32>
    %mul3A_21 = arith.mulf %add3A_20, %mul3A : vector<1000x128xf32>
    %exp3A = math.exp %mul3A_21 : vector<1000x128xf32>
    %mul3A_22 = arith.mulf %add3A_20, %exp3A : vector<1000x128xf32>
    %slice3A = vector.extract_strided_slice %exp3A {offsets = [0, 0], sizes = [1000, 64], strides = [1, 1]} : vector<1000x128xf32> to vector<1000x64xf32>
    %slice3A_23 = vector.extract_strided_slice %mul3A_22 {offsets = [0, 0], sizes = [1000, 64], strides = [1, 1]} : vector<1000x128xf32> to vector<1000x64xf32>
    %concatenate3A = tpu.concatenate %slice3A, %slice3A_23 in 1 : vector<1000x64xf32>, vector<1000x64xf32> -> vector<1000x128xf32>
    %slice3A_24 = vector.extract_strided_slice %exp3A {offsets = [0, 64], sizes = [1000, 64], strides = [1, 1]} : vector<1000x128xf32> to vector<1000x64xf32>
    %slice3A_25 = vector.extract_strided_slice %mul3A_22 {offsets = [0, 64], sizes = [1000, 64], strides = [1, 1]} : vector<1000x128xf32> to vector<1000x64xf32>
    %concatenate3A_26 = tpu.concatenate %slice3A_24, %slice3A_25 in 1 : vector<1000x64xf32>, vector<1000x64xf32> -> vector<1000x128xf32>
    %swap3A_27 = arith.constant 0 : index
    %swap3A_28 = arith.constant 0 : index
    %swap3A_29 = vector.load %arg6[%swap3A_27, %swap3A_28] : memref<1000x128xf32, #tpu.memory_space<vmem>>, vector<1000x128xf32>
    tpu.vector_store %arg6[%swap3A_27, %swap3A_28], %concatenate3A {strides = array<i32>} : memref<1000x128xf32, #tpu.memory_space<vmem>>, vector<1000x128xf32>,
    %swap3A_30 = arith.constant 0 : index
    %swap3A_31 = arith.constant 0 : index
    %swap3A_32 = vector.load %arg7[%swap3A_30, %swap3A_31] : memref<1000x128xf32, #tpu.memory_space<vmem>>, vector<1000x128xf32>
    tpu.vector_store %arg7[%swap3A_30, %swap3A_31], %concatenate3A_26 {strides = array<i32>} : memref<1000x128xf32, #tpu.memory_space<vmem>>, vector<1000x128xf32>,
    return
  }
  func.func @transform_0(%arg0: i32) -> (i32, i32) {
    %c0_i32 = arith.constant 0 : i32
    %c0_i32_0 = arith.constant 0 : i32
    return %arg0, %c0_i32 : i32, i32
  }
  func.func @transform_1(%arg0: i32) -> (i32, i32) {
    %c0_i32 = arith.constant 0 : i32
    %c0_i32_0 = arith.constant 0 : i32
    %c0_i32_1 = arith.constant 0 : i32
    return %c0_i32, %c0_i32_0 : i32, i32
  }
  func.func @transform_2(%arg0: i32) -> (i32, i32) {
    %c0_i32 = arith.constant 0 : i32
    %c0_i32_0 = arith.constant 0 : i32
    %c0_i32_1 = arith.constant 0 : i32
    return %c0_i32, %c0_i32_0 : i32, i32
  }
  func.func @transform_3(%arg0: i32) -> (i32, i32) {
    %c0_i32 = arith.constant 0 : i32
    %c0_i32_0 = arith.constant 0 : i32
    %c0_i32_1 = arith.constant 0 : i32
    return %c0_i32, %c0_i32_0 : i32, i32
  }
  func.func @transform_4(%arg0: i32) -> (i32, i32) {
    %c0_i32 = arith.constant 0 : i32
    %c0_i32_0 = arith.constant 0 : i32
    return %arg0, %c0_i32 : i32, i32
  }
  func.func @transform_5(%arg0: i32) -> (i32, i32) {
    %c0_i32 = arith.constant 0 : i32
    %c0_i32_0 = arith.constant 0 : i32
    return %arg0, %c0_i32 : i32, i32
  }
  func.func @transform_6(%arg0: i32) -> (i32, i32) {
    %c0_i32 = arith.constant 0 : i32
    %c0_i32_0 = arith.constant 0 : i32
    return %arg0, %c0_i32 : i32, i32
  }
}

module attributes {stable_mosaic.version = 14 : i64} {
  func.func @_layer_body(%arg0: i32, %arg1: memref<1000x128xf32, #tpu.memory_space<vmem>>, %arg2: memref<1000x128xf32, #tpu.memory_space<vmem>>, %arg3: memref<1000x128xf32, #tpu.memory_space<vmem>>, %arg4: memref<128x256xf32, #tpu.memory_space<vmem>>, %arg5: memref<1x256xf32, #tpu.memory_space<vmem>>, %arg6: memref<1x256xf32, #tpu.memory_space<vmem>>, %arg7: memref<1x256xf32, #tpu.memory_space<vmem>>, %arg8: memref<256x128xf32, #tpu.memory_space<vmem>>, %arg9: memref<1x128xf32, #tpu.memory_space<vmem>>, %arg10: memref<1x128xf32, #tpu.memory_space<vmem>>, %arg11: memref<1x128xf32, #tpu.memory_space<vmem>>, %arg12: memref<1x1xf32, #tpu.memory_space<vmem>>, %arg13: memref<1000x128xf32, #tpu.memory_space<vmem>>, %arg14: memref<1000x128xf32, #tpu.memory_space<vmem>>, %arg15: memref<1000x128xf32, #tpu.memory_space<vmem>>) attributes {dimension_semantics = [#tpu.dimension_semantics<arbitrary>], iteration_bounds = array<i64: 10>, scalar_prefetch = 0 : i64, scratch_operands = 0 : i64, tpu.core_type = #tpu.core_type<tc>, window_params = [{transform_indices = @transform_0, window_bounds = array<i64: 1000, 128>}, {transform_indices = @transform_1, window_bounds = array<i64: 1000, 128>}, {transform_indices = @transform_2, window_bounds = array<i64: 1000, 128>}, {pipeline_mode = #tpu.pipeline_mode<synchronous>, transform_indices = @transform_3, window_bounds = array<i64: 128, 256>}, {pipeline_mode = #tpu.pipeline_mode<synchronous>, transform_indices = @transform_4, window_bounds = array<i64: 1, 256>}, {pipeline_mode = #tpu.pipeline_mode<synchronous>, transform_indices = @transform_5, window_bounds = array<i64: 1, 256>}, {pipeline_mode = #tpu.pipeline_mode<synchronous>, transform_indices = @transform_6, window_bounds = array<i64: 1, 256>}, {pipeline_mode = #tpu.pipeline_mode<synchronous>, transform_indices = @transform_7, window_bounds = array<i64: 256, 128>}, {pipeline_mode = #tpu.pipeline_mode<synchronous>, transform_indices = @transform_8, window_bounds = array<i64: 1, 128>}, {pipeline_mode = #tpu.pipeline_mode<synchronous>, transform_indices = @transform_9, window_bounds = array<i64: 1, 128>}, {pipeline_mode = #tpu.pipeline_mode<synchronous>, transform_indices = @transform_10, window_bounds = array<i64: 1, 128>}, {pipeline_mode = #tpu.pipeline_mode<synchronous>, transform_indices = @transform_11, window_bounds = array<i64: 1, 1>}, {transform_indices = @transform_12, window_bounds = array<i64: 1000, 128>}, {transform_indices = @transform_13, window_bounds = array<i64: 1000, 128>}, {transform_indices = @transform_14, window_bounds = array<i64: 1000, 128>}]} {
    %get3A = arith.constant 0 : index
    %get3A_0 = arith.constant 0 : index
    %get3A_1 = vector.load %arg1[%get3A, %get3A_0] : memref<1000x128xf32, #tpu.memory_space<vmem>>, vector<1000x128xf32>
    %get3A_2 = arith.constant 0 : index
    %get3A_3 = arith.constant 0 : index
    %get3A_4 = vector.load %arg2[%get3A_2, %get3A_3] : memref<1000x128xf32, #tpu.memory_space<vmem>>, vector<1000x128xf32>
    %get3A_5 = arith.constant 0 : index
    %get3A_6 = arith.constant 0 : index
    %get3A_7 = vector.load %arg3[%get3A_5, %get3A_6] : memref<1000x128xf32, #tpu.memory_space<vmem>>, vector<1000x128xf32>
    %slice3A = vector.extract_strided_slice %get3A_1 {offsets = [0, 0], sizes = [1000, 64], strides = [1, 1]} : vector<1000x128xf32> to vector<1000x64xf32>
    %slice3A_8 = vector.extract_strided_slice %get3A_4 {offsets = [0, 0], sizes = [1000, 64], strides = [1, 1]} : vector<1000x128xf32> to vector<1000x64xf32>
    %concatenate3A = tpu.concatenate %slice3A, %slice3A_8 in 1 : vector<1000x64xf32>, vector<1000x64xf32> -> vector<1000x128xf32>
    %slice3A_9 = vector.extract_strided_slice %get3A_1 {offsets = [0, 64], sizes = [1000, 64], strides = [1, 1]} : vector<1000x128xf32> to vector<1000x64xf32>
    %slice3A_10 = vector.extract_strided_slice %get3A_4 {offsets = [0, 64], sizes = [1000, 64], strides = [1, 1]} : vector<1000x128xf32> to vector<1000x64xf32>
    %concatenate3A_11 = tpu.concatenate %slice3A_9, %slice3A_10 in 1 : vector<1000x64xf32>, vector<1000x64xf32> -> vector<1000x128xf32>
    %add3A = arith.constant 1.000000e-16 : f32
    %add3A_12 = vector.broadcast %add3A : f32 to vector<1000x128xf32>
    %add3A_13 = arith.addf %concatenate3A, %add3A_12 : vector<1000x128xf32>
    %div3A = arith.divf %concatenate3A_11, %add3A_13 : vector<1000x128xf32>
    %add3A_14 = arith.addf %div3A, %get3A_7 : vector<1000x128xf32>
    %get3A_15 = arith.constant 0 : index
    %get3A_16 = arith.constant 0 : index
    %get3A_17 = vector.load %arg4[%get3A_15, %get3A_16] : memref<128x256xf32, #tpu.memory_space<vmem>>, vector<128x256xf32>
    %dot_general3A = arith.constant dense<0.000000e+00> : vector<1000x256xf32>
    %dot_general3A_18 = tpu.matmul %add3A_14, %get3A_17, %dot_general3A {dimension_numbers = #tpu.dot_dimension_numbers<[1], [0], [0], [1], [0, 0, 1, 1], [], []>, transpose_lhs_hint = false} : vector<1000x128xf32>, vector<128x256xf32>, vector<1000x256xf32> -> vector<1000x256xf32>
    %get3A_19 = arith.constant 0 : index
    %get3A_20 = arith.constant 0 : index
    %get3A_21 = vector.load %arg5[%get3A_19, %get3A_20] : memref<1x256xf32, #tpu.memory_space<vmem>>, vector<1x256xf32>
    %add3A_22 = vector.broadcast %get3A_21 : vector<1x256xf32> to vector<1000x256xf32>
    %add3A_23 = arith.addf %dot_general3A_18, %add3A_22 : vector<1000x256xf32>
    %get3A_24 = arith.constant 0 : index
    %get3A_25 = arith.constant 0 : index
    %get3A_26 = vector.load %arg6[%get3A_24, %get3A_25] : memref<1x256xf32, #tpu.memory_space<vmem>>, vector<1x256xf32>
    %get3A_27 = arith.constant 0 : index
    %get3A_28 = arith.constant 0 : index
    %get3A_29 = vector.load %arg7[%get3A_27, %get3A_28] : memref<1x256xf32, #tpu.memory_space<vmem>>, vector<1x256xf32>
    %reduce_sum3A = arith.constant dense<0.000000e+00> : vector<1000xf32>
    %reduce_sum3A_30 = vector.multi_reduction <add>, %add3A_23, %reduce_sum3A [1] : vector<1000x256xf32> to vector<1000xf32>
    %broadcast_in_dim3A = vector.shape_cast %reduce_sum3A_30 : vector<1000xf32> to vector<1000x1xf32>
    %div3A_31 = arith.constant 2.560000e+02 : f32
    %div3A_32 = vector.broadcast %div3A_31 : f32 to vector<1000x1xf32>
    %div3A_33 = arith.divf %broadcast_in_dim3A, %div3A_32 : vector<1000x1xf32>
    %jit3A = arith.constant 0 : i32
    %reduce_sum3A_34 = arith.constant dense<0.000000e+00> : vector<1000xf32>
    %reduce_sum3A_35 = vector.multi_reduction <add>, %add3A_23, %reduce_sum3A_34 [1] : vector<1000x256xf32> to vector<1000xf32>
    %broadcast_in_dim3A_36 = vector.shape_cast %reduce_sum3A_35 : vector<1000xf32> to vector<1000x1xf32>
    %div3A_37 = arith.constant 2.560000e+02 : f32
    %div3A_38 = vector.broadcast %div3A_37 : f32 to vector<1000x1xf32>
    %div3A_39 = arith.divf %broadcast_in_dim3A_36, %div3A_38 : vector<1000x1xf32>
    %sub3A = vector.broadcast %div3A_39 : vector<1000x1xf32> to vector<1000x256xf32>
    %sub3A_40 = arith.subf %add3A_23, %sub3A : vector<1000x256xf32>
    %square3A = arith.mulf %sub3A_40, %sub3A_40 : vector<1000x256xf32>
    %convert_element_type3A = arith.sitofp %jit3A : i32 to f32
    %sub3A_41 = arith.constant 2.560000e+02 : f32
    %sub3A_42 = arith.subf %sub3A_41, %convert_element_type3A : f32
    %reduce_sum3A_43 = arith.constant dense<0.000000e+00> : vector<1000xf32>
    %reduce_sum3A_44 = vector.multi_reduction <add>, %square3A, %reduce_sum3A_43 [1] : vector<1000x256xf32> to vector<1000xf32>
    %broadcast_in_dim3A_45 = vector.shape_cast %reduce_sum3A_44 : vector<1000xf32> to vector<1000x1xf32>
    %div3A_46 = vector.broadcast %sub3A_42 : f32 to vector<1000x1xf32>
    %div3A_47 = arith.divf %broadcast_in_dim3A_45, %div3A_46 : vector<1000x1xf32>
    %gt3A = arith.constant 0.000000e+00 : f32
    %gt3A_48 = arith.cmpf ogt, %sub3A_42, %gt3A : f32
    %jit3A_49 = arith.constant 0x7FC00000 : f32
    %broadcast_in_dim3A_50 = vector.broadcast %jit3A_49 : f32 to vector<1000x1xf32>
    %select_n3A = arith.select %gt3A_48, %div3A_47, %broadcast_in_dim3A_50 : vector<1000x1xf32>
    %sub3A_51 = vector.broadcast %div3A_33 : vector<1000x1xf32> to vector<1000x256xf32>
    %sub3A_52 = arith.subf %add3A_23, %sub3A_51 : vector<1000x256xf32>
    %add3A_53 = arith.constant 9.99999974E-6 : f32
    %add3A_54 = vector.broadcast %add3A_53 : f32 to vector<1000x1xf32>
    %add3A_55 = arith.addf %select_n3A, %add3A_54 : vector<1000x1xf32>
    %sqrt3A = math.sqrt %add3A_55 : vector<1000x1xf32>
    %div3A_56 = vector.broadcast %sqrt3A : vector<1000x1xf32> to vector<1000x256xf32>
    %div3A_57 = arith.divf %sub3A_52, %div3A_56 : vector<1000x256xf32>
    %mul3A = vector.broadcast %get3A_26 : vector<1x256xf32> to vector<1000x256xf32>
    %mul3A_58 = arith.mulf %div3A_57, %mul3A : vector<1000x256xf32>
    %add3A_59 = vector.broadcast %get3A_29 : vector<1x256xf32> to vector<1000x256xf32>
    %add3A_60 = arith.addf %mul3A_58, %add3A_59 : vector<1000x256xf32>
    %max3A = arith.constant 0.000000e+00 : f32
    %max3A_61 = vector.broadcast %max3A : f32 to vector<1000x256xf32>
    %max3A_62 = arith.maximumf %add3A_60, %max3A_61 : vector<1000x256xf32>
    %get3A_63 = arith.constant 0 : index
    %get3A_64 = arith.constant 0 : index
    %get3A_65 = vector.load %arg8[%get3A_63, %get3A_64] : memref<256x128xf32, #tpu.memory_space<vmem>>, vector<256x128xf32>
    %dot_general3A_66 = arith.constant dense<0.000000e+00> : vector<1000x128xf32>
    %dot_general3A_67 = tpu.matmul %max3A_62, %get3A_65, %dot_general3A_66 {dimension_numbers = #tpu.dot_dimension_numbers<[1], [0], [0], [1], [0, 0, 1, 1], [], []>, transpose_lhs_hint = false} : vector<1000x256xf32>, vector<256x128xf32>, vector<1000x128xf32> -> vector<1000x128xf32>
    %get3A_68 = arith.constant 0 : index
    %get3A_69 = arith.constant 0 : index
    %get3A_70 = vector.load %arg9[%get3A_68, %get3A_69] : memref<1x128xf32, #tpu.memory_space<vmem>>, vector<1x128xf32>
    %add3A_71 = vector.broadcast %get3A_70 : vector<1x128xf32> to vector<1000x128xf32>
    %add3A_72 = arith.addf %dot_general3A_67, %add3A_71 : vector<1000x128xf32>
    %swap3A = arith.constant 0 : index
    %swap3A_73 = arith.constant 0 : index
    %swap3A_74 = vector.load %arg13[%swap3A, %swap3A_73] : memref<1000x128xf32, #tpu.memory_space<vmem>>, vector<1000x128xf32>
    tpu.vector_store %arg13[%swap3A, %swap3A_73], %add3A_72 {strides = array<i32>} : memref<1000x128xf32, #tpu.memory_space<vmem>>, vector<1000x128xf32>,
    %max3A_75 = arith.constant 0.000000e+00 : f32
    %max3A_76 = vector.broadcast %max3A_75 : f32 to vector<1000x128xf32>
    %max3A_77 = arith.maximumf %add3A_72, %max3A_76 : vector<1000x128xf32>
    %get3A_78 = arith.constant 0 : index
    %get3A_79 = arith.constant 0 : index
    %get3A_80 = vector.load %arg12[%get3A_78, %get3A_79] : memref<1x1xf32, #tpu.memory_space<vmem>>, vector<1x1xf32>
    %get3A_81 = vector.extract %get3A_80[0, 0] : f32 from vector<1x1xf32>
    %add3A_82 = arith.constant 1.000000e-07 : f32
    %add3A_83 = vector.broadcast %add3A_82 : f32 to vector<1000x128xf32>
    %add3A_84 = arith.addf %max3A_77, %add3A_83 : vector<1000x128xf32>
    %mul3A_85 = vector.broadcast %get3A_81 : f32 to vector<1000x128xf32>
    %mul3A_86 = arith.mulf %add3A_84, %mul3A_85 : vector<1000x128xf32>
    %exp3A = math.exp %mul3A_86 : vector<1000x128xf32>
    %mul3A_87 = arith.mulf %add3A_84, %exp3A : vector<1000x128xf32>
    %slice3A_88 = vector.extract_strided_slice %exp3A {offsets = [0, 0], sizes = [1000, 64], strides = [1, 1]} : vector<1000x128xf32> to vector<1000x64xf32>
    %slice3A_89 = vector.extract_strided_slice %mul3A_87 {offsets = [0, 0], sizes = [1000, 64], strides = [1, 1]} : vector<1000x128xf32> to vector<1000x64xf32>
    %concatenate3A_90 = tpu.concatenate %slice3A_88, %slice3A_89 in 1 : vector<1000x64xf32>, vector<1000x64xf32> -> vector<1000x128xf32>
    %slice3A_91 = vector.extract_strided_slice %exp3A {offsets = [0, 64], sizes = [1000, 64], strides = [1, 1]} : vector<1000x128xf32> to vector<1000x64xf32>
    %slice3A_92 = vector.extract_strided_slice %mul3A_87 {offsets = [0, 64], sizes = [1000, 64], strides = [1, 1]} : vector<1000x128xf32> to vector<1000x64xf32>
    %concatenate3A_93 = tpu.concatenate %slice3A_91, %slice3A_92 in 1 : vector<1000x64xf32>, vector<1000x64xf32> -> vector<1000x128xf32>
    %swap3A_94 = arith.constant 0 : index
    %swap3A_95 = arith.constant 0 : index
    %swap3A_96 = vector.load %arg14[%swap3A_94, %swap3A_95] : memref<1000x128xf32, #tpu.memory_space<vmem>>, vector<1000x128xf32>
    tpu.vector_store %arg14[%swap3A_94, %swap3A_95], %concatenate3A_90 {strides = array<i32>} : memref<1000x128xf32, #tpu.memory_space<vmem>>, vector<1000x128xf32>,
    %swap3A_97 = arith.constant 0 : index
    %swap3A_98 = arith.constant 0 : index
    %swap3A_99 = vector.load %arg15[%swap3A_97, %swap3A_98] : memref<1000x128xf32, #tpu.memory_space<vmem>>, vector<1000x128xf32>
    tpu.vector_store %arg15[%swap3A_97, %swap3A_98], %concatenate3A_93 {strides = array<i32>} : memref<1000x128xf32, #tpu.memory_space<vmem>>, vector<1000x128xf32>,
    return
  }
  func.func @transform_0(%arg0: i32) -> (i32, i32) {
    %c0_i32 = arith.constant 0 : i32
    %c0_i32_0 = arith.constant 0 : i32
    return %arg0, %c0_i32 : i32, i32
  }
  func.func @transform_1(%arg0: i32) -> (i32, i32) {
    %c0_i32 = arith.constant 0 : i32
    %c0_i32_0 = arith.constant 0 : i32
    return %arg0, %c0_i32 : i32, i32
  }
  func.func @transform_2(%arg0: i32) -> (i32, i32) {
    %c0_i32 = arith.constant 0 : i32
    %c0_i32_0 = arith.constant 0 : i32
    return %arg0, %c0_i32 : i32, i32
  }
  func.func @transform_3(%arg0: i32) -> (i32, i32) {
    %c0_i32 = arith.constant 0 : i32
    %c0_i32_0 = arith.constant 0 : i32
    %c0_i32_1 = arith.constant 0 : i32
    return %c0_i32, %c0_i32_0 : i32, i32
  }
  func.func @transform_4(%arg0: i32) -> (i32, i32) {
    %c0_i32 = arith.constant 0 : i32
    %c0_i32_0 = arith.constant 0 : i32
    %c0_i32_1 = arith.constant 0 : i32
    return %c0_i32, %c0_i32_0 : i32, i32
  }
  func.func @transform_5(%arg0: i32) -> (i32, i32) {
    %c0_i32 = arith.constant 0 : i32
    %c0_i32_0 = arith.constant 0 : i32
    %c0_i32_1 = arith.constant 0 : i32
    return %c0_i32, %c0_i32_0 : i32, i32
  }
  func.func @transform_6(%arg0: i32) -> (i32, i32) {
    %c0_i32 = arith.constant 0 : i32
    %c0_i32_0 = arith.constant 0 : i32
    %c0_i32_1 = arith.constant 0 : i32
    return %c0_i32, %c0_i32_0 : i32, i32
  }
  func.func @transform_7(%arg0: i32) -> (i32, i32) {
    %c0_i32 = arith.constant 0 : i32
    %c0_i32_0 = arith.constant 0 : i32
    %c0_i32_1 = arith.constant 0 : i32
    return %c0_i32, %c0_i32_0 : i32, i32
  }
  func.func @transform_8(%arg0: i32) -> (i32, i32) {
    %c0_i32 = arith.constant 0 : i32
    %c0_i32_0 = arith.constant 0 : i32
    %c0_i32_1 = arith.constant 0 : i32
    return %c0_i32, %c0_i32_0 : i32, i32
  }
  func.func @transform_9(%arg0: i32) -> (i32, i32) {
    %c0_i32 = arith.constant 0 : i32
    %c0_i32_0 = arith.constant 0 : i32
    %c0_i32_1 = arith.constant 0 : i32
    return %c0_i32, %c0_i32_0 : i32, i32
  }
  func.func @transform_10(%arg0: i32) -> (i32, i32) {
    %c0_i32 = arith.constant 0 : i32
    %c0_i32_0 = arith.constant 0 : i32
    %c0_i32_1 = arith.constant 0 : i32
    return %c0_i32, %c0_i32_0 : i32, i32
  }
  func.func @transform_11(%arg0: i32) -> (i32, i32) {
    %c0_i32 = arith.constant 0 : i32
    %c0_i32_0 = arith.constant 0 : i32
    %c0_i32_1 = arith.constant 0 : i32
    return %c0_i32, %c0_i32_0 : i32, i32
  }
  func.func @transform_12(%arg0: i32) -> (i32, i32) {
    %c0_i32 = arith.constant 0 : i32
    %c0_i32_0 = arith.constant 0 : i32
    return %arg0, %c0_i32 : i32, i32
  }
  func.func @transform_13(%arg0: i32) -> (i32, i32) {
    %c0_i32 = arith.constant 0 : i32
    %c0_i32_0 = arith.constant 0 : i32
    return %arg0, %c0_i32 : i32, i32
  }
  func.func @transform_14(%arg0: i32) -> (i32, i32) {
    %c0_i32 = arith.constant 0 : i32
    %c0_i32_0 = arith.constant 0 : i32
    return %arg0, %c0_i32 : i32, i32
  }
}

module attributes {stable_mosaic.version = 14 : i64} {
  func.func @_layer_body(%arg0: i32, %arg1: memref<1000x128xf32, #tpu.memory_space<vmem>>, %arg2: memref<1000x128xf32, #tpu.memory_space<vmem>>, %arg3: memref<1000x128xf32, #tpu.memory_space<vmem>>, %arg4: memref<128x256xf32, #tpu.memory_space<vmem>>, %arg5: memref<1x256xf32, #tpu.memory_space<vmem>>, %arg6: memref<1x256xf32, #tpu.memory_space<vmem>>, %arg7: memref<1x256xf32, #tpu.memory_space<vmem>>, %arg8: memref<256x128xf32, #tpu.memory_space<vmem>>, %arg9: memref<1x128xf32, #tpu.memory_space<vmem>>, %arg10: memref<1x128xf32, #tpu.memory_space<vmem>>, %arg11: memref<1x128xf32, #tpu.memory_space<vmem>>, %arg12: memref<1x1xf32, #tpu.memory_space<vmem>>, %arg13: memref<1000x128xf32, #tpu.memory_space<vmem>>, %arg14: memref<1000x128xf32, #tpu.memory_space<vmem>>, %arg15: memref<1000x128xf32, #tpu.memory_space<vmem>>) attributes {dimension_semantics = [#tpu.dimension_semantics<arbitrary>], iteration_bounds = array<i64: 10>, scalar_prefetch = 0 : i64, scratch_operands = 0 : i64, tpu.core_type = #tpu.core_type<tc>, window_params = [{transform_indices = @transform_0, window_bounds = array<i64: 1000, 128>}, {transform_indices = @transform_1, window_bounds = array<i64: 1000, 128>}, {transform_indices = @transform_2, window_bounds = array<i64: 1000, 128>}, {pipeline_mode = #tpu.pipeline_mode<synchronous>, transform_indices = @transform_3, window_bounds = array<i64: 128, 256>}, {pipeline_mode = #tpu.pipeline_mode<synchronous>, transform_indices = @transform_4, window_bounds = array<i64: 1, 256>}, {pipeline_mode = #tpu.pipeline_mode<synchronous>, transform_indices = @transform_5, window_bounds = array<i64: 1, 256>}, {pipeline_mode = #tpu.pipeline_mode<synchronous>, transform_indices = @transform_6, window_bounds = array<i64: 1, 256>}, {pipeline_mode = #tpu.pipeline_mode<synchronous>, transform_indices = @transform_7, window_bounds = array<i64: 256, 128>}, {pipeline_mode = #tpu.pipeline_mode<synchronous>, transform_indices = @transform_8, window_bounds = array<i64: 1, 128>}, {pipeline_mode = #tpu.pipeline_mode<synchronous>, transform_indices = @transform_9, window_bounds = array<i64: 1, 128>}, {pipeline_mode = #tpu.pipeline_mode<synchronous>, transform_indices = @transform_10, window_bounds = array<i64: 1, 128>}, {pipeline_mode = #tpu.pipeline_mode<synchronous>, transform_indices = @transform_11, window_bounds = array<i64: 1, 1>}, {transform_indices = @transform_12, window_bounds = array<i64: 1000, 128>}, {transform_indices = @transform_13, window_bounds = array<i64: 1000, 128>}, {transform_indices = @transform_14, window_bounds = array<i64: 1000, 128>}]} {
    %get3A = arith.constant 0 : index
    %get3A_0 = arith.constant 0 : index
    %get3A_1 = vector.load %arg1[%get3A, %get3A_0] : memref<1000x128xf32, #tpu.memory_space<vmem>>, vector<1000x128xf32>
    %get3A_2 = arith.constant 0 : index
    %get3A_3 = arith.constant 0 : index
    %get3A_4 = vector.load %arg2[%get3A_2, %get3A_3] : memref<1000x128xf32, #tpu.memory_space<vmem>>, vector<1000x128xf32>
    %get3A_5 = arith.constant 0 : index
    %get3A_6 = arith.constant 0 : index
    %get3A_7 = vector.load %arg3[%get3A_5, %get3A_6] : memref<1000x128xf32, #tpu.memory_space<vmem>>, vector<1000x128xf32>
    %slice3A = vector.extract_strided_slice %get3A_1 {offsets = [0, 0], sizes = [1000, 64], strides = [1, 1]} : vector<1000x128xf32> to vector<1000x64xf32>
    %slice3A_8 = vector.extract_strided_slice %get3A_4 {offsets = [0, 0], sizes = [1000, 64], strides = [1, 1]} : vector<1000x128xf32> to vector<1000x64xf32>
    %concatenate3A = tpu.concatenate %slice3A, %slice3A_8 in 1 : vector<1000x64xf32>, vector<1000x64xf32> -> vector<1000x128xf32>
    %slice3A_9 = vector.extract_strided_slice %get3A_1 {offsets = [0, 64], sizes = [1000, 64], strides = [1, 1]} : vector<1000x128xf32> to vector<1000x64xf32>
    %slice3A_10 = vector.extract_strided_slice %get3A_4 {offsets = [0, 64], sizes = [1000, 64], strides = [1, 1]} : vector<1000x128xf32> to vector<1000x64xf32>
    %concatenate3A_11 = tpu.concatenate %slice3A_9, %slice3A_10 in 1 : vector<1000x64xf32>, vector<1000x64xf32> -> vector<1000x128xf32>
    %add3A = arith.constant 1.000000e-16 : f32
    %add3A_12 = vector.broadcast %add3A : f32 to vector<1000x128xf32>
    %add3A_13 = arith.addf %concatenate3A, %add3A_12 : vector<1000x128xf32>
    %div3A = arith.divf %concatenate3A_11, %add3A_13 : vector<1000x128xf32>
    %add3A_14 = arith.addf %div3A, %get3A_7 : vector<1000x128xf32>
    %get3A_15 = arith.constant 0 : index
    %get3A_16 = arith.constant 0 : index
    %get3A_17 = vector.load %arg4[%get3A_15, %get3A_16] : memref<128x256xf32, #tpu.memory_space<vmem>>, vector<128x256xf32>
    %dot_general3A = arith.constant dense<0.000000e+00> : vector<1000x256xf32>
    %dot_general3A_18 = tpu.matmul %add3A_14, %get3A_17, %dot_general3A {dimension_numbers = #tpu.dot_dimension_numbers<[1], [0], [0], [1], [0, 0, 1, 1], [], []>, transpose_lhs_hint = false} : vector<1000x128xf32>, vector<128x256xf32>, vector<1000x256xf32> -> vector<1000x256xf32>
    %get3A_19 = arith.constant 0 : index
    %get3A_20 = arith.constant 0 : index
    %get3A_21 = vector.load %arg5[%get3A_19, %get3A_20] : memref<1x256xf32, #tpu.memory_space<vmem>>, vector<1x256xf32>
    %add3A_22 = vector.broadcast %get3A_21 : vector<1x256xf32> to vector<1000x256xf32>
    %add3A_23 = arith.addf %dot_general3A_18, %add3A_22 : vector<1000x256xf32>
    %get3A_24 = arith.constant 0 : index
    %get3A_25 = arith.constant 0 : index
    %get3A_26 = vector.load %arg6[%get3A_24, %get3A_25] : memref<1x256xf32, #tpu.memory_space<vmem>>, vector<1x256xf32>
    %get3A_27 = arith.constant 0 : index
    %get3A_28 = arith.constant 0 : index
    %get3A_29 = vector.load %arg7[%get3A_27, %get3A_28] : memref<1x256xf32, #tpu.memory_space<vmem>>, vector<1x256xf32>
    %reduce_sum3A = arith.constant dense<0.000000e+00> : vector<1000xf32>
    %reduce_sum3A_30 = vector.multi_reduction <add>, %add3A_23, %reduce_sum3A [1] : vector<1000x256xf32> to vector<1000xf32>
    %broadcast_in_dim3A = vector.shape_cast %reduce_sum3A_30 : vector<1000xf32> to vector<1000x1xf32>
    %div3A_31 = arith.constant 2.560000e+02 : f32
    %div3A_32 = vector.broadcast %div3A_31 : f32 to vector<1000x1xf32>
    %div3A_33 = arith.divf %broadcast_in_dim3A, %div3A_32 : vector<1000x1xf32>
    %jit3A = arith.constant 0 : i32
    %reduce_sum3A_34 = arith.constant dense<0.000000e+00> : vector<1000xf32>
    %reduce_sum3A_35 = vector.multi_reduction <add>, %add3A_23, %reduce_sum3A_34 [1] : vector<1000x256xf32> to vector<1000xf32>
    %broadcast_in_dim3A_36 = vector.shape_cast %reduce_sum3A_35 : vector<1000xf32> to vector<1000x1xf32>
    %div3A_37 = arith.constant 2.560000e+02 : f32
    %div3A_38 = vector.broadcast %div3A_37 : f32 to vector<1000x1xf32>
    %div3A_39 = arith.divf %broadcast_in_dim3A_36, %div3A_38 : vector<1000x1xf32>
    %sub3A = vector.broadcast %div3A_39 : vector<1000x1xf32> to vector<1000x256xf32>
    %sub3A_40 = arith.subf %add3A_23, %sub3A : vector<1000x256xf32>
    %square3A = arith.mulf %sub3A_40, %sub3A_40 : vector<1000x256xf32>
    %convert_element_type3A = arith.sitofp %jit3A : i32 to f32
    %sub3A_41 = arith.constant 2.560000e+02 : f32
    %sub3A_42 = arith.subf %sub3A_41, %convert_element_type3A : f32
    %reduce_sum3A_43 = arith.constant dense<0.000000e+00> : vector<1000xf32>
    %reduce_sum3A_44 = vector.multi_reduction <add>, %square3A, %reduce_sum3A_43 [1] : vector<1000x256xf32> to vector<1000xf32>
    %broadcast_in_dim3A_45 = vector.shape_cast %reduce_sum3A_44 : vector<1000xf32> to vector<1000x1xf32>
    %div3A_46 = vector.broadcast %sub3A_42 : f32 to vector<1000x1xf32>
    %div3A_47 = arith.divf %broadcast_in_dim3A_45, %div3A_46 : vector<1000x1xf32>
    %gt3A = arith.constant 0.000000e+00 : f32
    %gt3A_48 = arith.cmpf ogt, %sub3A_42, %gt3A : f32
    %jit3A_49 = arith.constant 0x7FC00000 : f32
    %broadcast_in_dim3A_50 = vector.broadcast %jit3A_49 : f32 to vector<1000x1xf32>
    %select_n3A = arith.select %gt3A_48, %div3A_47, %broadcast_in_dim3A_50 : vector<1000x1xf32>
    %sub3A_51 = vector.broadcast %div3A_33 : vector<1000x1xf32> to vector<1000x256xf32>
    %sub3A_52 = arith.subf %add3A_23, %sub3A_51 : vector<1000x256xf32>
    %add3A_53 = arith.constant 9.99999974E-6 : f32
    %add3A_54 = vector.broadcast %add3A_53 : f32 to vector<1000x1xf32>
    %add3A_55 = arith.addf %select_n3A, %add3A_54 : vector<1000x1xf32>
    %sqrt3A = math.sqrt %add3A_55 : vector<1000x1xf32>
    %div3A_56 = vector.broadcast %sqrt3A : vector<1000x1xf32> to vector<1000x256xf32>
    %div3A_57 = arith.divf %sub3A_52, %div3A_56 : vector<1000x256xf32>
    %mul3A = vector.broadcast %get3A_26 : vector<1x256xf32> to vector<1000x256xf32>
    %mul3A_58 = arith.mulf %div3A_57, %mul3A : vector<1000x256xf32>
    %add3A_59 = vector.broadcast %get3A_29 : vector<1x256xf32> to vector<1000x256xf32>
    %add3A_60 = arith.addf %mul3A_58, %add3A_59 : vector<1000x256xf32>
    %max3A = arith.constant 0.000000e+00 : f32
    %max3A_61 = vector.broadcast %max3A : f32 to vector<1000x256xf32>
    %max3A_62 = arith.maximumf %add3A_60, %max3A_61 : vector<1000x256xf32>
    %get3A_63 = arith.constant 0 : index
    %get3A_64 = arith.constant 0 : index
    %get3A_65 = vector.load %arg8[%get3A_63, %get3A_64] : memref<256x128xf32, #tpu.memory_space<vmem>>, vector<256x128xf32>
    %dot_general3A_66 = arith.constant dense<0.000000e+00> : vector<1000x128xf32>
    %dot_general3A_67 = tpu.matmul %max3A_62, %get3A_65, %dot_general3A_66 {dimension_numbers = #tpu.dot_dimension_numbers<[1], [0], [0], [1], [0, 0, 1, 1], [], []>, transpose_lhs_hint = false} : vector<1000x256xf32>, vector<256x128xf32>, vector<1000x128xf32> -> vector<1000x128xf32>
    %get3A_68 = arith.constant 0 : index
    %get3A_69 = arith.constant 0 : index
    %get3A_70 = vector.load %arg9[%get3A_68, %get3A_69] : memref<1x128xf32, #tpu.memory_space<vmem>>, vector<1x128xf32>
    %add3A_71 = vector.broadcast %get3A_70 : vector<1x128xf32> to vector<1000x128xf32>
    %add3A_72 = arith.addf %dot_general3A_67, %add3A_71 : vector<1000x128xf32>
    %get3A_73 = arith.constant 0 : index
    %get3A_74 = arith.constant 0 : index
    %get3A_75 = vector.load %arg10[%get3A_73, %get3A_74] : memref<1x128xf32, #tpu.memory_space<vmem>>, vector<1x128xf32>
    %get3A_76 = arith.constant 0 : index
    %get3A_77 = arith.constant 0 : index
    %get3A_78 = vector.load %arg11[%get3A_76, %get3A_77] : memref<1x128xf32, #tpu.memory_space<vmem>>, vector<1x128xf32>
    %reduce_sum3A_79 = arith.constant dense<0.000000e+00> : vector<1000xf32>
    %reduce_sum3A_80 = vector.multi_reduction <add>, %add3A_72, %reduce_sum3A_79 [1] : vector<1000x128xf32> to vector<1000xf32>
    %broadcast_in_dim3A_81 = vector.shape_cast %reduce_sum3A_80 : vector<1000xf32> to vector<1000x1xf32>
    %div3A_82 = arith.constant 1.280000e+02 : f32
    %div3A_83 = vector.broadcast %div3A_82 : f32 to vector<1000x1xf32>
    %div3A_84 = arith.divf %broadcast_in_dim3A_81, %div3A_83 : vector<1000x1xf32>
    %jit3A_85 = arith.constant 0 : i32
    %reduce_sum3A_86 = arith.constant dense<0.000000e+00> : vector<1000xf32>
    %reduce_sum3A_87 = vector.multi_reduction <add>, %add3A_72, %reduce_sum3A_86 [1] : vector<1000x128xf32> to vector<1000xf32>
    %broadcast_in_dim3A_88 = vector.shape_cast %reduce_sum3A_87 : vector<1000xf32> to vector<1000x1xf32>
    %div3A_89 = arith.constant 1.280000e+02 : f32
    %div3A_90 = vector.broadcast %div3A_89 : f32 to vector<1000x1xf32>
    %div3A_91 = arith.divf %broadcast_in_dim3A_88, %div3A_90 : vector<1000x1xf32>
    %sub3A_92 = vector.broadcast %div3A_91 : vector<1000x1xf32> to vector<1000x128xf32>
    %sub3A_93 = arith.subf %add3A_72, %sub3A_92 : vector<1000x128xf32>
    %square3A_94 = arith.mulf %sub3A_93, %sub3A_93 : vector<1000x128xf32>
    %convert_element_type3A_95 = arith.sitofp %jit3A_85 : i32 to f32
    %sub3A_96 = arith.constant 1.280000e+02 : f32
    %sub3A_97 = arith.subf %sub3A_96, %convert_element_type3A_95 : f32
    %reduce_sum3A_98 = arith.constant dense<0.000000e+00> : vector<1000xf32>
    %reduce_sum3A_99 = vector.multi_reduction <add>, %square3A_94, %reduce_sum3A_98 [1] : vector<1000x128xf32> to vector<1000xf32>
    %broadcast_in_dim3A_100 = vector.shape_cast %reduce_sum3A_99 : vector<1000xf32> to vector<1000x1xf32>
    %div3A_101 = vector.broadcast %sub3A_97 : f32 to vector<1000x1xf32>
    %div3A_102 = arith.divf %broadcast_in_dim3A_100, %div3A_101 : vector<1000x1xf32>
    %gt3A_103 = arith.constant 0.000000e+00 : f32
    %gt3A_104 = arith.cmpf ogt, %sub3A_97, %gt3A_103 : f32
    %jit3A_105 = arith.constant 0x7FC00000 : f32
    %broadcast_in_dim3A_106 = vector.broadcast %jit3A_105 : f32 to vector<1000x1xf32>
    %select_n3A_107 = arith.select %gt3A_104, %div3A_102, %broadcast_in_dim3A_106 : vector<1000x1xf32>
    %sub3A_108 = vector.broadcast %div3A_84 : vector<1000x1xf32> to vector<1000x128xf32>
    %sub3A_109 = arith.subf %add3A_72, %sub3A_108 : vector<1000x128xf32>
    %add3A_110 = arith.constant 9.99999974E-6 : f32
    %add3A_111 = vector.broadcast %add3A_110 : f32 to vector<1000x1xf32>
    %add3A_112 = arith.addf %select_n3A_107, %add3A_111 : vector<1000x1xf32>
    %sqrt3A_113 = math.sqrt %add3A_112 : vector<1000x1xf32>
    %div3A_114 = vector.broadcast %sqrt3A_113 : vector<1000x1xf32> to vector<1000x128xf32>
    %div3A_115 = arith.divf %sub3A_109, %div3A_114 : vector<1000x128xf32>
    %mul3A_116 = vector.broadcast %get3A_75 : vector<1x128xf32> to vector<1000x128xf32>
    %mul3A_117 = arith.mulf %div3A_115, %mul3A_116 : vector<1000x128xf32>
    %add3A_118 = vector.broadcast %get3A_78 : vector<1x128xf32> to vector<1000x128xf32>
    %add3A_119 = arith.addf %mul3A_117, %add3A_118 : vector<1000x128xf32>
    %max3A_120 = arith.constant 0.000000e+00 : f32
    %max3A_121 = vector.broadcast %max3A_120 : f32 to vector<1000x128xf32>
    %max3A_122 = arith.maximumf %add3A_119, %max3A_121 : vector<1000x128xf32>
    %add3A_123 = arith.addf %get3A_7, %max3A_122 : vector<1000x128xf32>
    %swap3A = arith.constant 0 : index
    %swap3A_124 = arith.constant 0 : index
    %swap3A_125 = vector.load %arg13[%swap3A, %swap3A_124] : memref<1000x128xf32, #tpu.memory_space<vmem>>, vector<1000x128xf32>
    tpu.vector_store %arg13[%swap3A, %swap3A_124], %add3A_123 {strides = array<i32>} : memref<1000x128xf32, #tpu.memory_space<vmem>>, vector<1000x128xf32>,
    %max3A_126 = arith.constant 0.000000e+00 : f32
    %max3A_127 = vector.broadcast %max3A_126 : f32 to vector<1000x128xf32>
    %max3A_128 = arith.maximumf %add3A_123, %max3A_127 : vector<1000x128xf32>
    %get3A_129 = arith.constant 0 : index
    %get3A_130 = arith.constant 0 : index
    %get3A_131 = vector.load %arg12[%get3A_129, %get3A_130] : memref<1x1xf32, #tpu.memory_space<vmem>>, vector<1x1xf32>
    %get3A_132 = vector.extract %get3A_131[0, 0] : f32 from vector<1x1xf32>
    %add3A_133 = arith.constant 1.000000e-07 : f32
    %add3A_134 = vector.broadcast %add3A_133 : f32 to vector<1000x128xf32>
    %add3A_135 = arith.addf %max3A_128, %add3A_134 : vector<1000x128xf32>
    %mul3A_136 = vector.broadcast %get3A_132 : f32 to vector<1000x128xf32>
    %mul3A_137 = arith.mulf %add3A_135, %mul3A_136 : vector<1000x128xf32>
    %exp3A = math.exp %mul3A_137 : vector<1000x128xf32>
    %mul3A_138 = arith.mulf %add3A_135, %exp3A : vector<1000x128xf32>
    %slice3A_139 = vector.extract_strided_slice %exp3A {offsets = [0, 0], sizes = [1000, 64], strides = [1, 1]} : vector<1000x128xf32> to vector<1000x64xf32>
    %slice3A_140 = vector.extract_strided_slice %mul3A_138 {offsets = [0, 0], sizes = [1000, 64], strides = [1, 1]} : vector<1000x128xf32> to vector<1000x64xf32>
    %concatenate3A_141 = tpu.concatenate %slice3A_139, %slice3A_140 in 1 : vector<1000x64xf32>, vector<1000x64xf32> -> vector<1000x128xf32>
    %slice3A_142 = vector.extract_strided_slice %exp3A {offsets = [0, 64], sizes = [1000, 64], strides = [1, 1]} : vector<1000x128xf32> to vector<1000x64xf32>
    %slice3A_143 = vector.extract_strided_slice %mul3A_138 {offsets = [0, 64], sizes = [1000, 64], strides = [1, 1]} : vector<1000x128xf32> to vector<1000x64xf32>
    %concatenate3A_144 = tpu.concatenate %slice3A_142, %slice3A_143 in 1 : vector<1000x64xf32>, vector<1000x64xf32> -> vector<1000x128xf32>
    %swap3A_145 = arith.constant 0 : index
    %swap3A_146 = arith.constant 0 : index
    %swap3A_147 = vector.load %arg14[%swap3A_145, %swap3A_146] : memref<1000x128xf32, #tpu.memory_space<vmem>>, vector<1000x128xf32>
    tpu.vector_store %arg14[%swap3A_145, %swap3A_146], %concatenate3A_141 {strides = array<i32>} : memref<1000x128xf32, #tpu.memory_space<vmem>>, vector<1000x128xf32>,
    %swap3A_148 = arith.constant 0 : index
    %swap3A_149 = arith.constant 0 : index
    %swap3A_150 = vector.load %arg15[%swap3A_148, %swap3A_149] : memref<1000x128xf32, #tpu.memory_space<vmem>>, vector<1000x128xf32>
    tpu.vector_store %arg15[%swap3A_148, %swap3A_149], %concatenate3A_144 {strides = array<i32>} : memref<1000x128xf32, #tpu.memory_space<vmem>>, vector<1000x128xf32>,
    return
  }
  func.func @transform_0(%arg0: i32) -> (i32, i32) {
    %c0_i32 = arith.constant 0 : i32
    %c0_i32_0 = arith.constant 0 : i32
    return %arg0, %c0_i32 : i32, i32
  }
  func.func @transform_1(%arg0: i32) -> (i32, i32) {
    %c0_i32 = arith.constant 0 : i32
    %c0_i32_0 = arith.constant 0 : i32
    return %arg0, %c0_i32 : i32, i32
  }
  func.func @transform_2(%arg0: i32) -> (i32, i32) {
    %c0_i32 = arith.constant 0 : i32
    %c0_i32_0 = arith.constant 0 : i32
    return %arg0, %c0_i32 : i32, i32
  }
  func.func @transform_3(%arg0: i32) -> (i32, i32) {
    %c0_i32 = arith.constant 0 : i32
    %c0_i32_0 = arith.constant 0 : i32
    %c0_i32_1 = arith.constant 0 : i32
    return %c0_i32, %c0_i32_0 : i32, i32
  }
  func.func @transform_4(%arg0: i32) -> (i32, i32) {
    %c0_i32 = arith.constant 0 : i32
    %c0_i32_0 = arith.constant 0 : i32
    %c0_i32_1 = arith.constant 0 : i32
    return %c0_i32, %c0_i32_0 : i32, i32
  }
  func.func @transform_5(%arg0: i32) -> (i32, i32) {
    %c0_i32 = arith.constant 0 : i32
    %c0_i32_0 = arith.constant 0 : i32
    %c0_i32_1 = arith.constant 0 : i32
    return %c0_i32, %c0_i32_0 : i32, i32
  }
  func.func @transform_6(%arg0: i32) -> (i32, i32) {
    %c0_i32 = arith.constant 0 : i32
    %c0_i32_0 = arith.constant 0 : i32
    %c0_i32_1 = arith.constant 0 : i32
    return %c0_i32, %c0_i32_0 : i32, i32
  }
  func.func @transform_7(%arg0: i32) -> (i32, i32) {
    %c0_i32 = arith.constant 0 : i32
    %c0_i32_0 = arith.constant 0 : i32
    %c0_i32_1 = arith.constant 0 : i32
    return %c0_i32, %c0_i32_0 : i32, i32
  }
  func.func @transform_8(%arg0: i32) -> (i32, i32) {
    %c0_i32 = arith.constant 0 : i32
    %c0_i32_0 = arith.constant 0 : i32
    %c0_i32_1 = arith.constant 0 : i32
    return %c0_i32, %c0_i32_0 : i32, i32
  }
  func.func @transform_9(%arg0: i32) -> (i32, i32) {
    %c0_i32 = arith.constant 0 : i32
    %c0_i32_0 = arith.constant 0 : i32
    %c0_i32_1 = arith.constant 0 : i32
    return %c0_i32, %c0_i32_0 : i32, i32
  }
  func.func @transform_10(%arg0: i32) -> (i32, i32) {
    %c0_i32 = arith.constant 0 : i32
    %c0_i32_0 = arith.constant 0 : i32
    %c0_i32_1 = arith.constant 0 : i32
    return %c0_i32, %c0_i32_0 : i32, i32
  }
  func.func @transform_11(%arg0: i32) -> (i32, i32) {
    %c0_i32 = arith.constant 0 : i32
    %c0_i32_0 = arith.constant 0 : i32
    %c0_i32_1 = arith.constant 0 : i32
    return %c0_i32, %c0_i32_0 : i32, i32
  }
  func.func @transform_12(%arg0: i32) -> (i32, i32) {
    %c0_i32 = arith.constant 0 : i32
    %c0_i32_0 = arith.constant 0 : i32
    return %arg0, %c0_i32 : i32, i32
  }
  func.func @transform_13(%arg0: i32) -> (i32, i32) {
    %c0_i32 = arith.constant 0 : i32
    %c0_i32_0 = arith.constant 0 : i32
    return %arg0, %c0_i32 : i32, i32
  }
  func.func @transform_14(%arg0: i32) -> (i32, i32) {
    %c0_i32 = arith.constant 0 : i32
    %c0_i32_0 = arith.constant 0 : i32
    return %arg0, %c0_i32 : i32, i32
  }
}

module attributes {stable_mosaic.version = 14 : i64} {
  func.func @_layer_body(%arg0: i32, %arg1: memref<1000x128xf32, #tpu.memory_space<vmem>>, %arg2: memref<1000x128xf32, #tpu.memory_space<vmem>>, %arg3: memref<1000x128xf32, #tpu.memory_space<vmem>>, %arg4: memref<128x256xf32, #tpu.memory_space<vmem>>, %arg5: memref<1x256xf32, #tpu.memory_space<vmem>>, %arg6: memref<1x256xf32, #tpu.memory_space<vmem>>, %arg7: memref<1x256xf32, #tpu.memory_space<vmem>>, %arg8: memref<256x128xf32, #tpu.memory_space<vmem>>, %arg9: memref<1x128xf32, #tpu.memory_space<vmem>>, %arg10: memref<1x128xf32, #tpu.memory_space<vmem>>, %arg11: memref<1x128xf32, #tpu.memory_space<vmem>>, %arg12: memref<1x1xf32, #tpu.memory_space<vmem>>, %arg13: memref<1000x128xf32, #tpu.memory_space<vmem>>) attributes {dimension_semantics = [#tpu.dimension_semantics<arbitrary>], iteration_bounds = array<i64: 10>, scalar_prefetch = 0 : i64, scratch_operands = 0 : i64, tpu.core_type = #tpu.core_type<tc>, window_params = [{transform_indices = @transform_0, window_bounds = array<i64: 1000, 128>}, {transform_indices = @transform_1, window_bounds = array<i64: 1000, 128>}, {transform_indices = @transform_2, window_bounds = array<i64: 1000, 128>}, {pipeline_mode = #tpu.pipeline_mode<synchronous>, transform_indices = @transform_3, window_bounds = array<i64: 128, 256>}, {pipeline_mode = #tpu.pipeline_mode<synchronous>, transform_indices = @transform_4, window_bounds = array<i64: 1, 256>}, {pipeline_mode = #tpu.pipeline_mode<synchronous>, transform_indices = @transform_5, window_bounds = array<i64: 1, 256>}, {pipeline_mode = #tpu.pipeline_mode<synchronous>, transform_indices = @transform_6, window_bounds = array<i64: 1, 256>}, {pipeline_mode = #tpu.pipeline_mode<synchronous>, transform_indices = @transform_7, window_bounds = array<i64: 256, 128>}, {pipeline_mode = #tpu.pipeline_mode<synchronous>, transform_indices = @transform_8, window_bounds = array<i64: 1, 128>}, {pipeline_mode = #tpu.pipeline_mode<synchronous>, transform_indices = @transform_9, window_bounds = array<i64: 1, 128>}, {pipeline_mode = #tpu.pipeline_mode<synchronous>, transform_indices = @transform_10, window_bounds = array<i64: 1, 128>}, {pipeline_mode = #tpu.pipeline_mode<synchronous>, transform_indices = @transform_11, window_bounds = array<i64: 1, 1>}, {transform_indices = @transform_12, window_bounds = array<i64: 1000, 128>}]} {
    %get3A = arith.constant 0 : index
    %get3A_0 = arith.constant 0 : index
    %get3A_1 = vector.load %arg1[%get3A, %get3A_0] : memref<1000x128xf32, #tpu.memory_space<vmem>>, vector<1000x128xf32>
    %get3A_2 = arith.constant 0 : index
    %get3A_3 = arith.constant 0 : index
    %get3A_4 = vector.load %arg2[%get3A_2, %get3A_3] : memref<1000x128xf32, #tpu.memory_space<vmem>>, vector<1000x128xf32>
    %get3A_5 = arith.constant 0 : index
    %get3A_6 = arith.constant 0 : index
    %get3A_7 = vector.load %arg3[%get3A_5, %get3A_6] : memref<1000x128xf32, #tpu.memory_space<vmem>>, vector<1000x128xf32>
    %slice3A = vector.extract_strided_slice %get3A_1 {offsets = [0, 0], sizes = [1000, 64], strides = [1, 1]} : vector<1000x128xf32> to vector<1000x64xf32>
    %slice3A_8 = vector.extract_strided_slice %get3A_4 {offsets = [0, 0], sizes = [1000, 64], strides = [1, 1]} : vector<1000x128xf32> to vector<1000x64xf32>
    %concatenate3A = tpu.concatenate %slice3A, %slice3A_8 in 1 : vector<1000x64xf32>, vector<1000x64xf32> -> vector<1000x128xf32>
    %slice3A_9 = vector.extract_strided_slice %get3A_1 {offsets = [0, 64], sizes = [1000, 64], strides = [1, 1]} : vector<1000x128xf32> to vector<1000x64xf32>
    %slice3A_10 = vector.extract_strided_slice %get3A_4 {offsets = [0, 64], sizes = [1000, 64], strides = [1, 1]} : vector<1000x128xf32> to vector<1000x64xf32>
    %concatenate3A_11 = tpu.concatenate %slice3A_9, %slice3A_10 in 1 : vector<1000x64xf32>, vector<1000x64xf32> -> vector<1000x128xf32>
    %add3A = arith.constant 1.000000e-16 : f32
    %add3A_12 = vector.broadcast %add3A : f32 to vector<1000x128xf32>
    %add3A_13 = arith.addf %concatenate3A, %add3A_12 : vector<1000x128xf32>
    %div3A = arith.divf %concatenate3A_11, %add3A_13 : vector<1000x128xf32>
    %add3A_14 = arith.addf %div3A, %get3A_7 : vector<1000x128xf32>
    %get3A_15 = arith.constant 0 : index
    %get3A_16 = arith.constant 0 : index
    %get3A_17 = vector.load %arg4[%get3A_15, %get3A_16] : memref<128x256xf32, #tpu.memory_space<vmem>>, vector<128x256xf32>
    %dot_general3A = arith.constant dense<0.000000e+00> : vector<1000x256xf32>
    %dot_general3A_18 = tpu.matmul %add3A_14, %get3A_17, %dot_general3A {dimension_numbers = #tpu.dot_dimension_numbers<[1], [0], [0], [1], [0, 0, 1, 1], [], []>, transpose_lhs_hint = false} : vector<1000x128xf32>, vector<128x256xf32>, vector<1000x256xf32> -> vector<1000x256xf32>
    %get3A_19 = arith.constant 0 : index
    %get3A_20 = arith.constant 0 : index
    %get3A_21 = vector.load %arg5[%get3A_19, %get3A_20] : memref<1x256xf32, #tpu.memory_space<vmem>>, vector<1x256xf32>
    %add3A_22 = vector.broadcast %get3A_21 : vector<1x256xf32> to vector<1000x256xf32>
    %add3A_23 = arith.addf %dot_general3A_18, %add3A_22 : vector<1000x256xf32>
    %get3A_24 = arith.constant 0 : index
    %get3A_25 = arith.constant 0 : index
    %get3A_26 = vector.load %arg6[%get3A_24, %get3A_25] : memref<1x256xf32, #tpu.memory_space<vmem>>, vector<1x256xf32>
    %get3A_27 = arith.constant 0 : index
    %get3A_28 = arith.constant 0 : index
    %get3A_29 = vector.load %arg7[%get3A_27, %get3A_28] : memref<1x256xf32, #tpu.memory_space<vmem>>, vector<1x256xf32>
    %reduce_sum3A = arith.constant dense<0.000000e+00> : vector<1000xf32>
    %reduce_sum3A_30 = vector.multi_reduction <add>, %add3A_23, %reduce_sum3A [1] : vector<1000x256xf32> to vector<1000xf32>
    %broadcast_in_dim3A = vector.shape_cast %reduce_sum3A_30 : vector<1000xf32> to vector<1000x1xf32>
    %div3A_31 = arith.constant 2.560000e+02 : f32
    %div3A_32 = vector.broadcast %div3A_31 : f32 to vector<1000x1xf32>
    %div3A_33 = arith.divf %broadcast_in_dim3A, %div3A_32 : vector<1000x1xf32>
    %jit3A = arith.constant 0 : i32
    %reduce_sum3A_34 = arith.constant dense<0.000000e+00> : vector<1000xf32>
    %reduce_sum3A_35 = vector.multi_reduction <add>, %add3A_23, %reduce_sum3A_34 [1] : vector<1000x256xf32> to vector<1000xf32>
    %broadcast_in_dim3A_36 = vector.shape_cast %reduce_sum3A_35 : vector<1000xf32> to vector<1000x1xf32>
    %div3A_37 = arith.constant 2.560000e+02 : f32
    %div3A_38 = vector.broadcast %div3A_37 : f32 to vector<1000x1xf32>
    %div3A_39 = arith.divf %broadcast_in_dim3A_36, %div3A_38 : vector<1000x1xf32>
    %sub3A = vector.broadcast %div3A_39 : vector<1000x1xf32> to vector<1000x256xf32>
    %sub3A_40 = arith.subf %add3A_23, %sub3A : vector<1000x256xf32>
    %square3A = arith.mulf %sub3A_40, %sub3A_40 : vector<1000x256xf32>
    %convert_element_type3A = arith.sitofp %jit3A : i32 to f32
    %sub3A_41 = arith.constant 2.560000e+02 : f32
    %sub3A_42 = arith.subf %sub3A_41, %convert_element_type3A : f32
    %reduce_sum3A_43 = arith.constant dense<0.000000e+00> : vector<1000xf32>
    %reduce_sum3A_44 = vector.multi_reduction <add>, %square3A, %reduce_sum3A_43 [1] : vector<1000x256xf32> to vector<1000xf32>
    %broadcast_in_dim3A_45 = vector.shape_cast %reduce_sum3A_44 : vector<1000xf32> to vector<1000x1xf32>
    %div3A_46 = vector.broadcast %sub3A_42 : f32 to vector<1000x1xf32>
    %div3A_47 = arith.divf %broadcast_in_dim3A_45, %div3A_46 : vector<1000x1xf32>
    %gt3A = arith.constant 0.000000e+00 : f32
    %gt3A_48 = arith.cmpf ogt, %sub3A_42, %gt3A : f32
    %jit3A_49 = arith.constant 0x7FC00000 : f32
    %broadcast_in_dim3A_50 = vector.broadcast %jit3A_49 : f32 to vector<1000x1xf32>
    %select_n3A = arith.select %gt3A_48, %div3A_47, %broadcast_in_dim3A_50 : vector<1000x1xf32>
    %sub3A_51 = vector.broadcast %div3A_33 : vector<1000x1xf32> to vector<1000x256xf32>
    %sub3A_52 = arith.subf %add3A_23, %sub3A_51 : vector<1000x256xf32>
    %add3A_53 = arith.constant 9.99999974E-6 : f32
    %add3A_54 = vector.broadcast %add3A_53 : f32 to vector<1000x1xf32>
    %add3A_55 = arith.addf %select_n3A, %add3A_54 : vector<1000x1xf32>
    %sqrt3A = math.sqrt %add3A_55 : vector<1000x1xf32>
    %div3A_56 = vector.broadcast %sqrt3A : vector<1000x1xf32> to vector<1000x256xf32>
    %div3A_57 = arith.divf %sub3A_52, %div3A_56 : vector<1000x256xf32>
    %mul3A = vector.broadcast %get3A_26 : vector<1x256xf32> to vector<1000x256xf32>
    %mul3A_58 = arith.mulf %div3A_57, %mul3A : vector<1000x256xf32>
    %add3A_59 = vector.broadcast %get3A_29 : vector<1x256xf32> to vector<1000x256xf32>
    %add3A_60 = arith.addf %mul3A_58, %add3A_59 : vector<1000x256xf32>
    %max3A = arith.constant 0.000000e+00 : f32
    %max3A_61 = vector.broadcast %max3A : f32 to vector<1000x256xf32>
    %max3A_62 = arith.maximumf %add3A_60, %max3A_61 : vector<1000x256xf32>
    %get3A_63 = arith.constant 0 : index
    %get3A_64 = arith.constant 0 : index
    %get3A_65 = vector.load %arg8[%get3A_63, %get3A_64] : memref<256x128xf32, #tpu.memory_space<vmem>>, vector<256x128xf32>
    %dot_general3A_66 = arith.constant dense<0.000000e+00> : vector<1000x128xf32>
    %dot_general3A_67 = tpu.matmul %max3A_62, %get3A_65, %dot_general3A_66 {dimension_numbers = #tpu.dot_dimension_numbers<[1], [0], [0], [1], [0, 0, 1, 1], [], []>, transpose_lhs_hint = false} : vector<1000x256xf32>, vector<256x128xf32>, vector<1000x128xf32> -> vector<1000x128xf32>
    %get3A_68 = arith.constant 0 : index
    %get3A_69 = arith.constant 0 : index
    %get3A_70 = vector.load %arg9[%get3A_68, %get3A_69] : memref<1x128xf32, #tpu.memory_space<vmem>>, vector<1x128xf32>
    %add3A_71 = vector.broadcast %get3A_70 : vector<1x128xf32> to vector<1000x128xf32>
    %add3A_72 = arith.addf %dot_general3A_67, %add3A_71 : vector<1000x128xf32>
    %get3A_73 = arith.constant 0 : index
    %get3A_74 = arith.constant 0 : index
    %get3A_75 = vector.load %arg10[%get3A_73, %get3A_74] : memref<1x128xf32, #tpu.memory_space<vmem>>, vector<1x128xf32>
    %get3A_76 = arith.constant 0 : index
    %get3A_77 = arith.constant 0 : index
    %get3A_78 = vector.load %arg11[%get3A_76, %get3A_77] : memref<1x128xf32, #tpu.memory_space<vmem>>, vector<1x128xf32>
    %reduce_sum3A_79 = arith.constant dense<0.000000e+00> : vector<1000xf32>
    %reduce_sum3A_80 = vector.multi_reduction <add>, %add3A_72, %reduce_sum3A_79 [1] : vector<1000x128xf32> to vector<1000xf32>
    %broadcast_in_dim3A_81 = vector.shape_cast %reduce_sum3A_80 : vector<1000xf32> to vector<1000x1xf32>
    %div3A_82 = arith.constant 1.280000e+02 : f32
    %div3A_83 = vector.broadcast %div3A_82 : f32 to vector<1000x1xf32>
    %div3A_84 = arith.divf %broadcast_in_dim3A_81, %div3A_83 : vector<1000x1xf32>
    %jit3A_85 = arith.constant 0 : i32
    %reduce_sum3A_86 = arith.constant dense<0.000000e+00> : vector<1000xf32>
    %reduce_sum3A_87 = vector.multi_reduction <add>, %add3A_72, %reduce_sum3A_86 [1] : vector<1000x128xf32> to vector<1000xf32>
    %broadcast_in_dim3A_88 = vector.shape_cast %reduce_sum3A_87 : vector<1000xf32> to vector<1000x1xf32>
    %div3A_89 = arith.constant 1.280000e+02 : f32
    %div3A_90 = vector.broadcast %div3A_89 : f32 to vector<1000x1xf32>
    %div3A_91 = arith.divf %broadcast_in_dim3A_88, %div3A_90 : vector<1000x1xf32>
    %sub3A_92 = vector.broadcast %div3A_91 : vector<1000x1xf32> to vector<1000x128xf32>
    %sub3A_93 = arith.subf %add3A_72, %sub3A_92 : vector<1000x128xf32>
    %square3A_94 = arith.mulf %sub3A_93, %sub3A_93 : vector<1000x128xf32>
    %convert_element_type3A_95 = arith.sitofp %jit3A_85 : i32 to f32
    %sub3A_96 = arith.constant 1.280000e+02 : f32
    %sub3A_97 = arith.subf %sub3A_96, %convert_element_type3A_95 : f32
    %reduce_sum3A_98 = arith.constant dense<0.000000e+00> : vector<1000xf32>
    %reduce_sum3A_99 = vector.multi_reduction <add>, %square3A_94, %reduce_sum3A_98 [1] : vector<1000x128xf32> to vector<1000xf32>
    %broadcast_in_dim3A_100 = vector.shape_cast %reduce_sum3A_99 : vector<1000xf32> to vector<1000x1xf32>
    %div3A_101 = vector.broadcast %sub3A_97 : f32 to vector<1000x1xf32>
    %div3A_102 = arith.divf %broadcast_in_dim3A_100, %div3A_101 : vector<1000x1xf32>
    %gt3A_103 = arith.constant 0.000000e+00 : f32
    %gt3A_104 = arith.cmpf ogt, %sub3A_97, %gt3A_103 : f32
    %jit3A_105 = arith.constant 0x7FC00000 : f32
    %broadcast_in_dim3A_106 = vector.broadcast %jit3A_105 : f32 to vector<1000x1xf32>
    %select_n3A_107 = arith.select %gt3A_104, %div3A_102, %broadcast_in_dim3A_106 : vector<1000x1xf32>
    %sub3A_108 = vector.broadcast %div3A_84 : vector<1000x1xf32> to vector<1000x128xf32>
    %sub3A_109 = arith.subf %add3A_72, %sub3A_108 : vector<1000x128xf32>
    %add3A_110 = arith.constant 9.99999974E-6 : f32
    %add3A_111 = vector.broadcast %add3A_110 : f32 to vector<1000x1xf32>
    %add3A_112 = arith.addf %select_n3A_107, %add3A_111 : vector<1000x1xf32>
    %sqrt3A_113 = math.sqrt %add3A_112 : vector<1000x1xf32>
    %div3A_114 = vector.broadcast %sqrt3A_113 : vector<1000x1xf32> to vector<1000x128xf32>
    %div3A_115 = arith.divf %sub3A_109, %div3A_114 : vector<1000x128xf32>
    %mul3A_116 = vector.broadcast %get3A_75 : vector<1x128xf32> to vector<1000x128xf32>
    %mul3A_117 = arith.mulf %div3A_115, %mul3A_116 : vector<1000x128xf32>
    %add3A_118 = vector.broadcast %get3A_78 : vector<1x128xf32> to vector<1000x128xf32>
    %add3A_119 = arith.addf %mul3A_117, %add3A_118 : vector<1000x128xf32>
    %max3A_120 = arith.constant 0.000000e+00 : f32
    %max3A_121 = vector.broadcast %max3A_120 : f32 to vector<1000x128xf32>
    %max3A_122 = arith.maximumf %add3A_119, %max3A_121 : vector<1000x128xf32>
    %add3A_123 = arith.addf %get3A_7, %max3A_122 : vector<1000x128xf32>
    %swap3A = arith.constant 0 : index
    %swap3A_124 = arith.constant 0 : index
    %swap3A_125 = vector.load %arg13[%swap3A, %swap3A_124] : memref<1000x128xf32, #tpu.memory_space<vmem>>, vector<1000x128xf32>
    tpu.vector_store %arg13[%swap3A, %swap3A_124], %add3A_123 {strides = array<i32>} : memref<1000x128xf32, #tpu.memory_space<vmem>>, vector<1000x128xf32>,
    return
  }
  func.func @transform_0(%arg0: i32) -> (i32, i32) {
    %c0_i32 = arith.constant 0 : i32
    %c0_i32_0 = arith.constant 0 : i32
    return %arg0, %c0_i32 : i32, i32
  }
  func.func @transform_1(%arg0: i32) -> (i32, i32) {
    %c0_i32 = arith.constant 0 : i32
    %c0_i32_0 = arith.constant 0 : i32
    return %arg0, %c0_i32 : i32, i32
  }
  func.func @transform_2(%arg0: i32) -> (i32, i32) {
    %c0_i32 = arith.constant 0 : i32
    %c0_i32_0 = arith.constant 0 : i32
    return %arg0, %c0_i32 : i32, i32
  }
  func.func @transform_3(%arg0: i32) -> (i32, i32) {
    %c0_i32 = arith.constant 0 : i32
    %c0_i32_0 = arith.constant 0 : i32
    %c0_i32_1 = arith.constant 0 : i32
    return %c0_i32, %c0_i32_0 : i32, i32
  }
  func.func @transform_4(%arg0: i32) -> (i32, i32) {
    %c0_i32 = arith.constant 0 : i32
    %c0_i32_0 = arith.constant 0 : i32
    %c0_i32_1 = arith.constant 0 : i32
    return %c0_i32, %c0_i32_0 : i32, i32
  }
  func.func @transform_5(%arg0: i32) -> (i32, i32) {
    %c0_i32 = arith.constant 0 : i32
    %c0_i32_0 = arith.constant 0 : i32
    %c0_i32_1 = arith.constant 0 : i32
    return %c0_i32, %c0_i32_0 : i32, i32
  }
  func.func @transform_6(%arg0: i32) -> (i32, i32) {
    %c0_i32 = arith.constant 0 : i32
    %c0_i32_0 = arith.constant 0 : i32
    %c0_i32_1 = arith.constant 0 : i32
    return %c0_i32, %c0_i32_0 : i32, i32
  }
  func.func @transform_7(%arg0: i32) -> (i32, i32) {
    %c0_i32 = arith.constant 0 : i32
    %c0_i32_0 = arith.constant 0 : i32
    %c0_i32_1 = arith.constant 0 : i32
    return %c0_i32, %c0_i32_0 : i32, i32
  }
  func.func @transform_8(%arg0: i32) -> (i32, i32) {
    %c0_i32 = arith.constant 0 : i32
    %c0_i32_0 = arith.constant 0 : i32
    %c0_i32_1 = arith.constant 0 : i32
    return %c0_i32, %c0_i32_0 : i32, i32
  }
  func.func @transform_9(%arg0: i32) -> (i32, i32) {
    %c0_i32 = arith.constant 0 : i32
    %c0_i32_0 = arith.constant 0 : i32
    %c0_i32_1 = arith.constant 0 : i32
    return %c0_i32, %c0_i32_0 : i32, i32
  }
  func.func @transform_10(%arg0: i32) -> (i32, i32) {
    %c0_i32 = arith.constant 0 : i32
    %c0_i32_0 = arith.constant 0 : i32
    %c0_i32_1 = arith.constant 0 : i32
    return %c0_i32, %c0_i32_0 : i32, i32
  }
  func.func @transform_11(%arg0: i32) -> (i32, i32) {
    %c0_i32 = arith.constant 0 : i32
    %c0_i32_0 = arith.constant 0 : i32
    %c0_i32_1 = arith.constant 0 : i32
    return %c0_i32, %c0_i32_0 : i32, i32
  }
  func.func @transform_12(%arg0: i32) -> (i32, i32) {
    %c0_i32 = arith.constant 0 : i32
    %c0_i32_0 = arith.constant 0 : i32
    return %arg0, %c0_i32 : i32, i32
  }
}

module attributes {stable_mosaic.version = 14 : i64} {
  func.func @_attn_body(%arg0: i32, %arg1: memref<1x512x512xf32, #tpu.memory_space<vmem>>, %arg2: memref<512x512xf32, #tpu.memory_space<vmem>>, %arg3: memref<1x512xf32, #tpu.memory_space<vmem>>, %arg4: memref<512x512xf32, #tpu.memory_space<vmem>>, %arg5: memref<1x512xf32, #tpu.memory_space<vmem>>, %arg6: memref<512x512xf32, #tpu.memory_space<vmem>>, %arg7: memref<1x512xf32, #tpu.memory_space<vmem>>, %arg8: memref<512x128xf32, #tpu.memory_space<vmem>>, %arg9: memref<1x128xf32, #tpu.memory_space<vmem>>, %arg10: memref<512x512xf32, #tpu.memory_space<vmem>>, %arg11: memref<1x512xf32, #tpu.memory_space<vmem>>, %arg12: memref<512x128xf32, #tpu.memory_space<vmem>>, %arg13: memref<1x128xf32, #tpu.memory_space<vmem>>, %arg14: memref<1x1x128xf32, #tpu.memory_space<vmem>>) attributes {dimension_semantics = [#tpu.dimension_semantics<arbitrary>], iteration_bounds = array<i64: 20>, scalar_prefetch = 0 : i64, scratch_operands = 0 : i64, tpu.core_type = #tpu.core_type<tc>, window_params = [{transform_indices = @transform_0, window_bounds = array<i64: 1, 512, 512>}, {pipeline_mode = #tpu.pipeline_mode<synchronous>, transform_indices = @transform_1, window_bounds = array<i64: 512, 512>}, {pipeline_mode = #tpu.pipeline_mode<synchronous>, transform_indices = @transform_2, window_bounds = array<i64: 1, 512>}, {pipeline_mode = #tpu.pipeline_mode<synchronous>, transform_indices = @transform_3, window_bounds = array<i64: 512, 512>}, {pipeline_mode = #tpu.pipeline_mode<synchronous>, transform_indices = @transform_4, window_bounds = array<i64: 1, 512>}, {pipeline_mode = #tpu.pipeline_mode<synchronous>, transform_indices = @transform_5, window_bounds = array<i64: 512, 512>}, {pipeline_mode = #tpu.pipeline_mode<synchronous>, transform_indices = @transform_6, window_bounds = array<i64: 1, 512>}, {pipeline_mode = #tpu.pipeline_mode<synchronous>, transform_indices = @transform_7, window_bounds = array<i64: 512, 128>}, {pipeline_mode = #tpu.pipeline_mode<synchronous>, transform_indices = @transform_8, window_bounds = array<i64: 1, 128>}, {pipeline_mode = #tpu.pipeline_mode<synchronous>, transform_indices = @transform_9, window_bounds = array<i64: 512, 512>}, {pipeline_mode = #tpu.pipeline_mode<synchronous>, transform_indices = @transform_10, window_bounds = array<i64: 1, 512>}, {pipeline_mode = #tpu.pipeline_mode<synchronous>, transform_indices = @transform_11, window_bounds = array<i64: 512, 128>}, {pipeline_mode = #tpu.pipeline_mode<synchronous>, transform_indices = @transform_12, window_bounds = array<i64: 1, 128>}, {transform_indices = @transform_13, window_bounds = array<i64: 1, 1, 128>}]} {
    %get3A = arith.constant 0 : index
    %get3A_0 = arith.constant 0 : index
    %get3A_1 = arith.constant 0 : index
    %get3A_2 = vector.load %arg1[%get3A, %get3A_0, %get3A_1] : memref<1x512x512xf32, #tpu.memory_space<vmem>>, vector<1x512x512xf32>
    %get3A_3 = vector.shape_cast %get3A_2 : vector<1x512x512xf32> to vector<512x512xf32>
    %get3A_4 = arith.constant 0 : index
    %get3A_5 = arith.constant 0 : index
    %get3A_6 = vector.load %arg2[%get3A_4, %get3A_5] : memref<512x512xf32, #tpu.memory_space<vmem>>, vector<512x512xf32>
    %dot_general3A = arith.constant dense<0.000000e+00> : vector<512x512xf32>
    %dot_general3A_7 = tpu.matmul %get3A_3, %get3A_6, %dot_general3A {dimension_numbers = #tpu.dot_dimension_numbers<[1], [0], [0], [1], [0, 0, 1, 1], [], []>, transpose_lhs_hint = false} : vector<512x512xf32>, vector<512x512xf32>, vector<512x512xf32> -> vector<512x512xf32>
    %get3A_8 = arith.constant 0 : index
    %get3A_9 = arith.constant 0 : index
    %get3A_10 = vector.load %arg3[%get3A_8, %get3A_9] : memref<1x512xf32, #tpu.memory_space<vmem>>, vector<1x512xf32>
    %add3A = vector.broadcast %get3A_10 : vector<1x512xf32> to vector<512x512xf32>
    %add3A_11 = arith.addf %dot_general3A_7, %add3A : vector<512x512xf32>
    %max3A = arith.constant 0.000000e+00 : f32
    %max3A_12 = vector.broadcast %max3A : f32 to vector<512x512xf32>
    %max3A_13 = arith.maximumf %add3A_11, %max3A_12 : vector<512x512xf32>
    %get3A_14 = arith.constant 0 : index
    %get3A_15 = arith.constant 0 : index
    %get3A_16 = vector.load %arg4[%get3A_14, %get3A_15] : memref<512x512xf32, #tpu.memory_space<vmem>>, vector<512x512xf32>
    %dot_general3A_17 = arith.constant dense<0.000000e+00> : vector<512x512xf32>
    %dot_general3A_18 = tpu.matmul %max3A_13, %get3A_16, %dot_general3A_17 {dimension_numbers = #tpu.dot_dimension_numbers<[1], [0], [0], [1], [0, 0, 1, 1], [], []>, transpose_lhs_hint = false} : vector<512x512xf32>, vector<512x512xf32>, vector<512x512xf32> -> vector<512x512xf32>
    %get3A_19 = arith.constant 0 : index
    %get3A_20 = arith.constant 0 : index
    %get3A_21 = vector.load %arg5[%get3A_19, %get3A_20] : memref<1x512xf32, #tpu.memory_space<vmem>>, vector<1x512xf32>
    %add3A_22 = vector.broadcast %get3A_21 : vector<1x512xf32> to vector<512x512xf32>
    %add3A_23 = arith.addf %dot_general3A_18, %add3A_22 : vector<512x512xf32>
    %tanh3A = math.tanh %add3A_23 : vector<512x512xf32>
    %get3A_24 = arith.constant 0 : index
    %get3A_25 = arith.constant 0 : index
    %get3A_26 = vector.load %arg6[%get3A_24, %get3A_25] : memref<512x512xf32, #tpu.memory_space<vmem>>, vector<512x512xf32>
    %dot_general3A_27 = arith.constant dense<0.000000e+00> : vector<512x512xf32>
    %dot_general3A_28 = tpu.matmul %max3A_13, %get3A_26, %dot_general3A_27 {dimension_numbers = #tpu.dot_dimension_numbers<[1], [0], [0], [1], [0, 0, 1, 1], [], []>, transpose_lhs_hint = false} : vector<512x512xf32>, vector<512x512xf32>, vector<512x512xf32> -> vector<512x512xf32>
    %get3A_29 = arith.constant 0 : index
    %get3A_30 = arith.constant 0 : index
    %get3A_31 = vector.load %arg7[%get3A_29, %get3A_30] : memref<1x512xf32, #tpu.memory_space<vmem>>, vector<1x512xf32>
    %add3A_32 = vector.broadcast %get3A_31 : vector<1x512xf32> to vector<512x512xf32>
    %add3A_33 = arith.addf %dot_general3A_28, %add3A_32 : vector<512x512xf32>
    %logistic3A = arith.negf %add3A_33 : vector<512x512xf32>
    %logistic3A_34 = math.exp %logistic3A : vector<512x512xf32>
    %logistic3A_35 = arith.constant 1.000000e+00 : f32
    %logistic3A_36 = vector.broadcast %logistic3A_35 : f32 to vector<512x512xf32>
    %logistic3A_37 = arith.addf %logistic3A_36, %logistic3A_34 : vector<512x512xf32>
    %logistic3A_38 = arith.divf %logistic3A_36, %logistic3A_37 : vector<512x512xf32>
    %mul3A = arith.mulf %tanh3A, %logistic3A_38 : vector<512x512xf32>
    %get3A_39 = arith.constant 0 : index
    %get3A_40 = arith.constant 0 : index
    %get3A_41 = vector.load %arg8[%get3A_39, %get3A_40] : memref<512x128xf32, #tpu.memory_space<vmem>>, vector<512x128xf32>
    %dot_general3A_42 = arith.constant dense<0.000000e+00> : vector<512x128xf32>
    %dot_general3A_43 = tpu.matmul %mul3A, %get3A_41, %dot_general3A_42 {dimension_numbers = #tpu.dot_dimension_numbers<[1], [0], [0], [1], [0, 0, 1, 1], [], []>, transpose_lhs_hint = false} : vector<512x512xf32>, vector<512x128xf32>, vector<512x128xf32> -> vector<512x128xf32>
    %get3A_44 = arith.constant 0 : index
    %get3A_45 = arith.constant 0 : index
    %get3A_46 = vector.load %arg9[%get3A_44, %get3A_45] : memref<1x128xf32, #tpu.memory_space<vmem>>, vector<1x128xf32>
    %add3A_47 = vector.broadcast %get3A_46 : vector<1x128xf32> to vector<512x128xf32>
    %add3A_48 = arith.addf %dot_general3A_43, %add3A_47 : vector<512x128xf32>
    %slice3A = vector.extract_strided_slice %add3A_48 {offsets = [0, 0], sizes = [512, 1], strides = [1, 1]} : vector<512x128xf32> to vector<512x1xf32>
    %iota3A = tpu.iota {dimensions = array<i32: 0>} : vector<512x1xi32>
    %lt3A = arith.constant 500 : i32
    %lt3A_49 = vector.broadcast %lt3A : i32 to vector<512x1xi32>
    %lt3A_50 = arith.cmpi slt, %iota3A, %lt3A_49 : vector<512x1xi32>
    %jit3A = arith.constant -1.000000e+30 : f32
    %broadcast_in_dim3A = vector.broadcast %jit3A : f32 to vector<512x1xf32>
    %select_n3A = arith.select %lt3A_50, %slice3A, %broadcast_in_dim3A : vector<512x1xi1>, vector<512x1xf32>
    %reduce_max3A = arith.constant dense<0xFF800000> : vector<1xf32>
    %reduce_max3A_51 = vector.multi_reduction <maximumf>, %select_n3A, %reduce_max3A [0] : vector<512x1xf32> to vector<1xf32>
    %broadcast_in_dim3A_52 = vector.shape_cast %reduce_max3A_51 : vector<1xf32> to vector<1x1xf32>
    %sub3A = vector.broadcast %broadcast_in_dim3A_52 : vector<1x1xf32> to vector<512x1xf32>
    %sub3A_53 = arith.subf %select_n3A, %sub3A : vector<512x1xf32>
    %exp3A = math.exp %sub3A_53 : vector<512x1xf32>
    %reduce_sum3A = arith.constant dense<0.000000e+00> : vector<1xf32>
    %reduce_sum3A_54 = vector.multi_reduction <add>, %exp3A, %reduce_sum3A [0] : vector<512x1xf32> to vector<1xf32>
    %broadcast_in_dim3A_55 = vector.shape_cast %reduce_sum3A_54 : vector<1xf32> to vector<1x1xf32>
    %div3A = vector.broadcast %broadcast_in_dim3A_55 : vector<1x1xf32> to vector<512x1xf32>
    %div3A_56 = arith.divf %exp3A, %div3A : vector<512x1xf32>
    %mul3A_57 = vector.broadcast %div3A_56 : vector<512x1xf32> to vector<512x512xf32>
    %mul3A_58 = arith.mulf %mul3A_57, %max3A_13 : vector<512x512xf32>
    %reduce_sum3A_59 = arith.constant dense<0.000000e+00> : vector<512xf32>
    %reduce_sum3A_60 = vector.multi_reduction <add>, %mul3A_58, %reduce_sum3A_59 [0] : vector<512x512xf32> to vector<512xf32>
    %broadcast_in_dim3A_61 = vector.shape_cast %reduce_sum3A_60 : vector<512xf32> to vector<1x512xf32>
    %get3A_62 = arith.constant 0 : index
    %get3A_63 = arith.constant 0 : index
    %get3A_64 = vector.load %arg10[%get3A_62, %get3A_63] : memref<512x512xf32, #tpu.memory_space<vmem>>, vector<512x512xf32>
    %dot_general3A_65 = arith.constant dense<0.000000e+00> : vector<1x512xf32>
    %dot_general3A_66 = tpu.matmul %broadcast_in_dim3A_61, %get3A_64, %dot_general3A_65 {dimension_numbers = #tpu.dot_dimension_numbers<[1], [0], [0], [1], [0, 0, 1, 1], [], []>, transpose_lhs_hint = false} : vector<1x512xf32>, vector<512x512xf32>, vector<1x512xf32> -> vector<1x512xf32>
    %get3A_67 = arith.constant 0 : index
    %get3A_68 = arith.constant 0 : index
    %get3A_69 = vector.load %arg11[%get3A_67, %get3A_68] : memref<1x512xf32, #tpu.memory_space<vmem>>, vector<1x512xf32>
    %add3A_70 = arith.addf %dot_general3A_66, %get3A_69 : vector<1x512xf32>
    %max3A_71 = arith.constant 0.000000e+00 : f32
    %max3A_72 = vector.broadcast %max3A_71 : f32 to vector<1x512xf32>
    %max3A_73 = arith.maximumf %add3A_70, %max3A_72 : vector<1x512xf32>
    %get3A_74 = arith.constant 0 : index
    %get3A_75 = arith.constant 0 : index
    %get3A_76 = vector.load %arg12[%get3A_74, %get3A_75] : memref<512x128xf32, #tpu.memory_space<vmem>>, vector<512x128xf32>
    %dot_general3A_77 = arith.constant dense<0.000000e+00> : vector<1x128xf32>
    %dot_general3A_78 = tpu.matmul %max3A_73, %get3A_76, %dot_general3A_77 {dimension_numbers = #tpu.dot_dimension_numbers<[1], [0], [0], [1], [0, 0, 1, 1], [], []>, transpose_lhs_hint = false} : vector<1x512xf32>, vector<512x128xf32>, vector<1x128xf32> -> vector<1x128xf32>
    %get3A_79 = arith.constant 0 : index
    %get3A_80 = arith.constant 0 : index
    %get3A_81 = vector.load %arg13[%get3A_79, %get3A_80] : memref<1x128xf32, #tpu.memory_space<vmem>>, vector<1x128xf32>
    %add3A_82 = arith.addf %dot_general3A_78, %get3A_81 : vector<1x128xf32>
    %swap3A = arith.constant 0 : index
    %swap3A_83 = arith.constant 0 : index
    %swap3A_84 = arith.constant 0 : index
    %swap3A_85 = vector.load %arg14[%swap3A, %swap3A_83, %swap3A_84] : memref<1x1x128xf32, #tpu.memory_space<vmem>>, vector<1x1x128xf32>
    %swap3A_86 = vector.shape_cast %swap3A_85 : vector<1x1x128xf32> to vector<1x128xf32>
    %swap3A_87 = vector.shape_cast %add3A_82 : vector<1x128xf32> to vector<1x1x128xf32>
    tpu.vector_store %arg14[%swap3A, %swap3A_83, %swap3A_84], %swap3A_87 {strides = array<i32>} : memref<1x1x128xf32, #tpu.memory_space<vmem>>, vector<1x1x128xf32>,
    return
  }
  func.func @transform_0(%arg0: i32) -> (i32, i32, i32) {
    %c0_i32 = arith.constant 0 : i32
    %c0_i32_0 = arith.constant 0 : i32
    %c0_i32_1 = arith.constant 0 : i32
    return %arg0, %c0_i32, %c0_i32_0 : i32, i32, i32
  }
  func.func @transform_1(%arg0: i32) -> (i32, i32) {
    %c0_i32 = arith.constant 0 : i32
    %c0_i32_0 = arith.constant 0 : i32
    %c0_i32_1 = arith.constant 0 : i32
    return %c0_i32, %c0_i32_0 : i32, i32
  }
  func.func @transform_2(%arg0: i32) -> (i32, i32) {
    %c0_i32 = arith.constant 0 : i32
    %c0_i32_0 = arith.constant 0 : i32
    %c0_i32_1 = arith.constant 0 : i32
    return %c0_i32, %c0_i32_0 : i32, i32
  }
  func.func @transform_3(%arg0: i32) -> (i32, i32) {
    %c0_i32 = arith.constant 0 : i32
    %c0_i32_0 = arith.constant 0 : i32
    %c0_i32_1 = arith.constant 0 : i32
    return %c0_i32, %c0_i32_0 : i32, i32
  }
  func.func @transform_4(%arg0: i32) -> (i32, i32) {
    %c0_i32 = arith.constant 0 : i32
    %c0_i32_0 = arith.constant 0 : i32
    %c0_i32_1 = arith.constant 0 : i32
    return %c0_i32, %c0_i32_0 : i32, i32
  }
  func.func @transform_5(%arg0: i32) -> (i32, i32) {
    %c0_i32 = arith.constant 0 : i32
    %c0_i32_0 = arith.constant 0 : i32
    %c0_i32_1 = arith.constant 0 : i32
    return %c0_i32, %c0_i32_0 : i32, i32
  }
  func.func @transform_6(%arg0: i32) -> (i32, i32) {
    %c0_i32 = arith.constant 0 : i32
    %c0_i32_0 = arith.constant 0 : i32
    %c0_i32_1 = arith.constant 0 : i32
    return %c0_i32, %c0_i32_0 : i32, i32
  }
  func.func @transform_7(%arg0: i32) -> (i32, i32) {
    %c0_i32 = arith.constant 0 : i32
    %c0_i32_0 = arith.constant 0 : i32
    %c0_i32_1 = arith.constant 0 : i32
    return %c0_i32, %c0_i32_0 : i32, i32
  }
  func.func @transform_8(%arg0: i32) -> (i32, i32) {
    %c0_i32 = arith.constant 0 : i32
    %c0_i32_0 = arith.constant 0 : i32
    %c0_i32_1 = arith.constant 0 : i32
    return %c0_i32, %c0_i32_0 : i32, i32
  }
  func.func @transform_9(%arg0: i32) -> (i32, i32) {
    %c0_i32 = arith.constant 0 : i32
    %c0_i32_0 = arith.constant 0 : i32
    %c0_i32_1 = arith.constant 0 : i32
    return %c0_i32, %c0_i32_0 : i32, i32
  }
  func.func @transform_10(%arg0: i32) -> (i32, i32) {
    %c0_i32 = arith.constant 0 : i32
    %c0_i32_0 = arith.constant 0 : i32
    %c0_i32_1 = arith.constant 0 : i32
    return %c0_i32, %c0_i32_0 : i32, i32
  }
  func.func @transform_11(%arg0: i32) -> (i32, i32) {
    %c0_i32 = arith.constant 0 : i32
    %c0_i32_0 = arith.constant 0 : i32
    %c0_i32_1 = arith.constant 0 : i32
    return %c0_i32, %c0_i32_0 : i32, i32
  }
  func.func @transform_12(%arg0: i32) -> (i32, i32) {
    %c0_i32 = arith.constant 0 : i32
    %c0_i32_0 = arith.constant 0 : i32
    %c0_i32_1 = arith.constant 0 : i32
    return %c0_i32, %c0_i32_0 : i32, i32
  }
  func.func @transform_13(%arg0: i32) -> (i32, i32, i32) {
    %c0_i32 = arith.constant 0 : i32
    %c0_i32_0 = arith.constant 0 : i32
    %c0_i32_1 = arith.constant 0 : i32
    return %arg0, %c0_i32, %c0_i32_0 : i32, i32, i32
  }
}

</mosaic_0001>

<sc_bundles>
// kernel: kernel.10.cloned.1.call-start
scs
__scs_entry_jumppad:
0x0: {  	(pc) =	sbr.rel $0x88, $3  }
0x1: {  	(tag) =	ssettag $0x0;
	lr =	simm.s32 $0x1  }
0x2: {  	[smem:$0x3F78] =	sst lr;
	_ =	strace $0xD0000000  }
0x3: {  	_ = 	snop  }
0x4: {  	_ = 	snop  }
0x5: {  	_ = 	snop  }
0x6: {  	_ = 	snop  }
0x7: {  	_ = 	snop  }
__scs_overlays_trampoline_lowered:
0x8: {  	[smem:$0x3F87] =	sst s0  }
0x9: {  	[smem:$0x3F88] =	sst s1  }
0xa: {  	[smem:$0x3F89] =	sst s2  }
0xb: {  	[smem:$0x3F8A] =	sst s3  }
0xc: {  	[smem:$0x3F8B] =	sst s4  }
0xd: {  	[smem:$0x3F8C] =	sst s5  }
0xe: {  	[smem:$0x3F8D] =	sst s6  }
0xf: {  	[smem:$0x3F8E] =	sst s7  }
0x10: {  	[smem:$0x3F8F] =	sst s8  }
0x11: {  	[smem:$0x3F90] =	sst s9;
	s0 =	simm.s32 @!p0 $0x0  }
0x12: {  	s1 =	sld [smem:$0x3F76];
	s0 =	simm.s32 @p0 $0x1  }
0x13: {  	[smem:$0x3F91] =	sst s0;
	s0 =	simm.s32 @!p1 $0x0  }
0x14: {  	s2 =	sld [smem:$0x3F75];
	s0 =	simm.s32 @p1 $0x1  }
0x15: {  	[smem:$0x3F92] =	sst s0;
	s0 =	simm.s32 @!p2 $0x0  }
0x16: {  	s3 =	sld [smem:$0x3FDB];
	s0 =	simm.s32 @p2 $0x1  }
0x17: {  	s4 =	simm.s32 $0x1BF5;
	[smem:$0x3F94] =	sst s0  }
0x18: {  	s0 =	sld [smem:$0x3F77];
	_ =	swait.ge [sflag:s4], $0x0  }
0x19: {  	s7 =	sld [smem:$0x3F78]  }
0x1a: {  	s8 =	sadd.s32 $0xFFFFE003, lr  }
0x1b: {  	s9 =	sadd.s32 $0xFFFFFEF7, lr;
	s5 =	simm.s32 $0xFFFFFFFF;
	p2 =	slt.u32 s8, $0xFFFFF086  }
0x1c: {  	p1 =	slt.u32 s9, $0xF7A;
	s5 =	simm.s32 @!p2 $0x0  }
0x1d: {  	s5 =	simm.s32 @p1 $0x1;
	p0 =	seq.s32 s7, s2  }
0x1e: {  	s7 =	smul.u32 @!p0 $0xF7A, s2;
	p2 =	seq.s32 @!p0 s5, $0x0  }
0x1f: {  	s9 =	smul.u32 $0xF7A, s1;
	s8 =	simm.s32 @!p0 $0x1BF5;
	p2 =	por !p2, p0  }
0x20: {  	[sflag:s8] =	ssyncset.s32 @!p0 $0xFFFFF086;
	s6 =	sadd.s32 @!p0 s3, s7;
	s7 =	simm.s32 @!p0 $0x108  }
0x21: {  	s3 =	sadd.s32 s3, s9;
	s6 =	sadd.s32 @!p0 $0x88, s6;
	s7 =	simm.s32 @p2 $0x1082  }
0x22: {  	[simem:s7], [sflag:s8] =	dma.local @!p0 [hbm:s6], $0xF7A  }
0x23: {  	s9 =	sor.u32 $0xD0000000, s2;
	s6 =	simm.s32 $0x108;
	_ =	swait.ge @!p0 [sflag:s8], $0x0  }
0x24: {  	s3 =	sadd.s32 $0x88, s3;
	s6 =	simm.s32 @!p1 $0x1082;
	[sflag:s4] =	ssyncset.s32 $0xFFFFF086  }
0x25: {  	[simem:s6], [sflag:s4] =	dma.local [hbm:s3], $0xF7A  }
0x26: {  	[smem:$0x3F78] =	sst s1;
	(tag) =	ssettag s2;
	_ =	strace s9  }
0x27: {  	s1 =	sld [smem:$0x3F88]  }
0x28: {  	s2 =	sld [smem:$0x3F89]  }
0x29: {  	s4 =	sld [smem:$0x3F8B]  }
0x2a: {  	p0 =	seq.s32 s5, $0x0;
	s5 =	sld [smem:$0x3F8C]  }
0x2b: {  	s6 =	sld [smem:$0x3F8D]  }
0x2c: {  	s7 =	sld [smem:$0x3F8E]  }
0x2d: {  	s3 =	simm.s32 $0x108;
	s8 =	sld [smem:$0x3F8F]  }
0x2e: {  	s3 =	simm.s32 @!p0 $0x1082;
	s9 =	sld [smem:$0x3F90]  }
0x2f: {  	lr =	sadd.s32 s0, s3;
	s0 =	sld [smem:$0x3F87]  }
0x30: {  	s3 =	sld [smem:$0x3F8A]  }
0x31: {  	[smem:$0x3F93] =	sst s10  }
0x32: {  	s10 =	sld [smem:$0x3F91];
	_ =	sdelay $0x3  }
0x33: {  	p0 =	seq.s32 s10, $0x1;
	s10 =	sld [smem:$0x3F93];
	_ =	sdelay $0x3  }
0x34: {  	[smem:$0x3F93] =	sst s10  }
0x35: {  	s10 =	sld [smem:$0x3F92];
	_ =	sdelay $0x3  }
0x36: {  	p1 =	seq.s32 s10, $0x1;
	s10 =	sld [smem:$0x3F93];
	_ =	sdelay $0x3  }
0x37: {  	[smem:$0x3F93] =	sst s10  }
0x38: {  	s10 =	sld [smem:$0x3F94]  }
0x39: {  	_ = 	snop;
	(pc) =	sbr.ind lr, $3  }
0x3a: {  	_ = 	snop  }
0x3b: {  	_ = 	snop  }
0x3c: {  	p2 =	seq.s32 s10, $0x1;
	s10 =	sld [smem:$0x3F93]  }
0x3d: {  	_ =	shalt  }
0x3e: {  	_ =	shalt  }
0x3f: {  	_ =	shalt  }
0x40: {  	_ =	shalt  }
0x41: {  	_ =	shalt  }
0x42: {  	_ =	shalt  }
0x43: {  	_ =	shalt  }
0x44: {  	_ =	shalt  }
0x45: {  	_ =	shalt  }
0x46: {  	_ =	shalt  }
0x47: {  	_ =	shalt  }
0x48: {  	_ =	shalt  }
0x49: {  	_ =	shalt  }
0x4a: {  	_ =	shalt  }
0x4b: {  	_ =	shalt  }
0x4c: {  	_ =	shalt  }
0x4d: {  	_ =	shalt  }
0x4e: {  	_ =	shalt  }
0x4f: {  	_ =	shalt  }
0x50: {  	_ =	shalt  }
0x51: {  	_ =	shalt  }
0x52: {  	_ =	shalt  }
0x53: {  	_ =	shalt  }
0x54: {  	_ =	shalt  }
0x55: {  	_ =	shalt  }
0x56: {  	_ =	shalt  }
0x57: {  	_ =	shalt  }
0x58: {  	_ =	shalt  }
0x59: {  	_ =	shalt  }
0x5a: {  	_ =	shalt  }
0x5b: {  	_ =	shalt  }
0x5c: {  	_ =	shalt  }
0x5d: {  	_ =	shalt  }
0x5e: {  	_ =	shalt  }
0x5f: {  	_ =	shalt  }
0x60: {  	_ =	shalt  }
0x61: {  	_ =	shalt  }
0x62: {  	_ =	shalt  }
0x63: {  	_ =	shalt  }
0x64: {  	_ =	shalt  }
0x65: {  	_ =	shalt  }
0x66: {  	_ =	shalt  }
0x67: {  	_ =	shalt  }
0x68: {  	_ =	shalt  }
0x69: {  	_ =	shalt  }
0x6a: {  	_ =	shalt  }
0x6b: {  	_ =	shalt  }
0x6c: {  	_ =	shalt  }
0x6d: {  	_ =	shalt  }
0x6e: {  	_ =	shalt  }
0x6f: {  	_ =	shalt  }
0x70: {  	_ =	shalt  }
0x71: {  	_ =	shalt  }
0x72: {  	_ =	shalt  }
0x73: {  	_ =	shalt  }
0x74: {  	_ =	shalt  }
0x75: {  	_ =	shalt  }
0x76: {  	_ =	shalt  }
0x77: {  	_ =	shalt  }
0x78: {  	_ =	shalt  }
0x79: {  	_ =	shalt  }
0x7a: {  	_ =	shalt  }
0x7b: {  	_ =	shalt  }
0x7c: {  	_ =	shalt  }
0x7d: {  	_ =	shalt  }
0x7e: {  	_ =	shalt  }
0x7f: {  	_ =	shalt  }
0x80: {  	_ =	shalt  }
0x81: {  	_ =	shalt  }
0x82: {  	_ =	shalt  }
0x83: {  	_ =	shalt  }
0x84: {  	_ =	shalt  }
0x85: {  	_ =	shalt  }
0x86: {  	_ =	shalt  }
0x87: {  	_ =	shalt  }
.Lfunc_end0:
.L_simem_size_0:
called_computation_lowered:
.L_overlay_start_0:
0x88: {  	s2 =	sld [smem:$0x3FD9]  }
0x89: {  	s3 =	sld [smem:$0x3FFE];
	_ =	sdelay $0x1  }
0x8a: {  	s1 =	srdreg.scid  }
0x8b: {  	s0 =	sand.u32 $0x1, s1  }
0x8c: {  	s16 =	sshll.u32 s0, $0xA;
	s2 =	sadd.s32 s3, s2  }
0x8d: {  	s2 =	sadd.s32 s2, s16  }
0x8e: {  	[smem:$0x3F9F] =	sst s2  }
0x8f: {  	_ = 	snop  }
0x90: {  	(tm) =	ssettm $0x1  }
0x91: {  	s17 =	sld [smem:$0x3FFB];
	_ =	sdelay $0x3  }
0x92: {  	_ =	strace s17  }
0x93: {  	s2 =	sld [smem:$0x3FFC];
	_ =	sdelay $0x3  }
0x94: {  	_ =	strace s2  }
0x95: {  	s2 =	sld [smem:$0x3FFD];
	_ =	sdelay $0x3  }
0x96: {  	_ =	strace s2  }
0x97: {  	_ =	strace $0x8FFFFFFF  }
0x98: {  	s18 =	sld [smem:$0x3FDB];
	_ =	sdelay $0x1  }
0x99: {  	s19 =	simm.s32 $_scs_section_size  }
0x9a: {  	s4 =	simm.s32 $_size__tile_overlayer_lowered;
	s5 =	simm.s32 $_tile_overlayer_lowered  }
0x9b: {  	s22 =	simm.s32 $0x1BFF;
	s21 =	sshll.u32 s5, $0x1;
	s2 =	sadd.s32 s19, s18  }
0x9c: {  	s6 =	simm.s32 $0x0;
	s20 =	sshll.u32 s4, $0x1;
	s4 =	sadd.s32 s21, s2  }
0x9d: {  	[timem:s6], [sflag:s22] =	dma.local [hbm:s4], s20  }
0x9e: {  	_ =	swait.ge [sflag:s22], s20  }
0x9f: {  	s3 =	ssub.s32 $0x0, s20;
	[sflag:s22] =	ssyncset.done $0x0  }
0xa0: {  	[sflag:s22] =	ssyncadd.s32 s3;
	_ =	sdelay $0x1  }
0xa1: {  	s23 =	simm.s32 $0x1B8B  }
0xa2: {  	_ =	swait.ge [sflag:s23], $0x1  }
0xa3: {  	[sflag:s23] =	ssyncset.done $0x0  }
0xa4: {  	s25 =	simm.s32 $0x1B8E;
	s24 =	sld [smem:$0x3FFE];
	[sflag:s23] =	ssyncadd.s32 $0xFFFFFFFF  }
0xa5: {  	s26 =	simm.s32 $execute0_lowered;
	[smem:$0x3FD2] =	sst s25  }
0xa6: {  	s4 =	sshll.u32 s26, $0x1;
	_ =	strace $0x80000046;
	[dreg:$0x1] =	wrdreg $0xFFFFFFFF  }
0xa7: {  	s28 =	simm.s32 $_size_execute0_lowered;
	s2 =	sadd.s32 s2, s4;
	[dreg:$0x0] =	wrdreg $0x0  }
0xa8: {  	s4 =	sshll.u32 s28, $0x1;
	[dreg:$0x2] =	wrdreg s2  }
0xa9: {  	[dreg:$0x3] =	wrdreg s4  }
0xaa: {  	[dreg:$0x4] =	wrdreg $0xC0  }
0xab: {  	_ =	task [dreg:s6], $0x5FFFF  }
0xac: {  	[dreg:$0x1] =	wrdreg $0xFFFFFFFF  }
0xad: {  	[dreg:$0x0] =	wrdreg $0x60  }
0xae: {  	[dreg:$0x2] =	wrdreg s24  }
0xaf: {  	[dreg:$0x3] =	wrdreg $0x41000  }
0xb0: {  	[dreg:$0x4] =	wrdreg $0x9  }
0xb1: {  	_ =	task.clear_ibuf [dreg:s6], $0x5FFFF;
	_ =	strace $0x90000046  }
0xb2: {  	s29 =	simm.s32 $0x9;
	_ =	strace $0x80000048  }
0xb3: {  	_ =	swait.ge [sflag:s29], $0x1  }
0xb4: {  	[sflag:s29] =	ssyncadd.s32 $0xFFFFFFFF  }
0xb5: {  	_ =	strace $0x90000048  }
0xb6: {  	_ =	sfence  }
0xb7: {  	s30 =	sld [smem:$0x0];
	_ =	sdelay $0x2  }
0xb8: {  	s31 =	sshll.u32 s1, $0xD;
	s1 =	sshrl.u32 s1, $0x2  }
0xb9: {  	s3 =	sand.u32 $0x4000, s31;
	s1 =	sadd.s32 s1, s30  }
0xba: {  	s0 =	sor.u32 s3, s0;
	s1 =	sshll.u32 s1, $0x11  }
0xbb: {  	s0 =	sor.u32 s1, s0  }
0xbc: {  	s0 =	sadd.s32 $0x8F2B, s0  }
0xbd: {  	[sflag:s0] =	ssyncadd.remote.s32 $0x1  }
0xbe: {  	_ =	sfence.sel $0xFFFF  }
0xbf: {  	[dreg:$0x0] =	wrdreg $0xFFFFFFFF;
	(pc) =	sbr.abs _section_cstart, $3  }
0xc0: {  	[dreg:$0x1] =	wrdreg $0xFFFFFFFF  }
0xc1: {  	_ =	task.clear_ibuf [dreg:s6], $0x2FFFF;
	_ =	strace $0x9FFFFFFF  }
0xc2: {  	(tm) =	ssettm $0x7FFFFFFF  }
0xc3: {  	_ =	shalt  }
tec
execute0_lowered:
.L_overlay_start_1:
0x0: {  	(tag) =	ssettag $0x1  }
0x1: {  	s8 =	rddreg [dreg:$0x0]  }
0x2: {  	s2 =	rddreg [dreg:$0x1]  }
0x3: {  	s0 =	rddreg [dreg:$0x2];
	s3 =	simm.s32 $0x0  }
0x4: {  	s1 =	stileid.u32;
	s9 =	srdreg.scid;
	s16 =	simm.s32 $0x80  }
0x5: {  	s17 =	simm.s32 $0x100;
	s18 =	simm.s32 $0x1;
	s19 =	simm.s32 $0x0  }
0x6: {  	[smem:$0x7FF] =	sst s3;
	s4 =	sadd.s32 $0x43E00, s8;
	s7 =	smul.u32 $0x9D0, s1  }
0x7: {  	s5 =	sadd.s32 $0x1CC00, s8;
	s6 =	smul.u32 $0x2780, s1;
	s14 =	sand.u32 $0x1, s9  }
0x8: {  	s30 =	smul.u32 $0x4F000, s1;
	s31 =	sshll.u32 s1, $0x6;
	_ =	strace $0x80000047  }
0x9: {  	s11 =	ssub.s32 $0x2, s14;
	p0 =	sne.s32 s14, $0x0;
	s13 =	sadd.s32 s7, s8  }
.Ltmp0:
0xa: {  	s10 =	sadd.s32 s6, s8;
	s7 =	sadd.s32 $0xB9A00, s8;
	(pc) =	sbr.rel .LBB2_1-.Ltmp0, $4  }
0xb: {  	s8 =	sadd.s32 $0xE1200, s8;
	s12 =	sshrl.u32 s11, $0x1;
	s9 =	sshrl.u32 s30, $0x2  }
0xc: {  	s11 =	ssub.s32 s11, s12;
	s15 =	sadd.s32 s9, s2;
	s9 =	sadd.s32 $0x92200, s10  }
0xd: {  	s10 =	sor.u32 $0x1C02, s31;
	s12 =	sadd.s32 $0x9000, s13;
	s13 =	sadd.s32 $0x12E00, s13  }
0xe: {  	s11 =	smax.u32 s11, $0x1;
	s14 =	sshrl.u32 s15, $0x3;
	s15 =	simm.s32 $0x2  }
.LBB2_7:
0xf: {  	s21 =	sadd.s32 s20, s13;
	[sflag:s15] =	ssyncadd.s32 $0xFFFFC000  }
0x10: {  	[tilespmem:s3], [sflag:$0x2] =	stream.linear.gather [hbm4b:s21+s3], $0x80, $0x38;
	[tilespmem:$0x17D00] =	vst v63  }
0x11: {  	_ =	swait.ge [sflag:s15], $0x80  }
0x12: {  	[sflag:s15] =	ssyncset.done $0x0  }
0x13: {  	s31 =	sadd.s32 s20, s12;
	[sflag:s15] =	ssyncadd.s32 $0xFFFFFF80  }
0x14: {  	[tilespmem:s16], [sflag:$0x2] =	stream.linear.gather [hbm4b:s31+s3], $0x80, $0x38;
	[tilespmem:$0x17D00] =	vst v63  }
0x15: {  	_ =	swait.ge [sflag:s15], $0x80  }
0x16: {  	[sflag:s15] =	ssyncset.done $0x0  }
0x17: {  	[sflag:s15] =	ssyncadd.s32 $0xFFFFFF80  }
0x18: {  	[tilespmem:s17], [sflag:$0x1] =	stream.indirect.gather [hbm4b:s5+s16], $0x80, s3, s16, $0xb8;
	[tilespmem:$0x17D00] =	vst v63  }
0x19: {  	_ =	swait.ge [sflag:s18], $0x4000  }
0x1a: {  	[sflag:s18] =	ssyncset.done $0x0  }
0x1b: {  	[sflag:s18] =	ssyncadd.s32 $0xFFFFC000  }
0x1c: {  	[spmem:s2] =	stream.indirect.scatter.add.f32 [tilespmem:s17], [sflag:$0x2], $0x80, s16, s16, $0xb8;
	[tilespmem:$0x17D00] =	vst v63  }
0x1d: {  	_ =	swait.ge [sflag:s15], $0x4000  }
0x1e: {  	[sflag:s15] =	ssyncset.done $0x0  }
0x1f: {  	s20 =	smov.u32 s8;
	[sflag:s15] =	ssyncadd.s32 $0xFFFFC000  }
.LBB2_8:
0x20: {  	s19 =	sadd.s32 $0x1, s19  }
0x21: {  	p1 =	sne.s32 s19, s11  }
.Ltmp1:
0x22: {  	s20 =	sadd.s32 s20, s6;
	[bflag:$0x0] =	sbarrier.arrive $0xFFFF;
	(pc) =	sbr.rel @!p1 .LBB2_9-.Ltmp1, $4  }
0x23: {  	[hbm:s20], [sflag:s10] =	dma.local [spmem:s14], $0x2780  }
0x24: {  	_ =	swait.ge [sflag:s15], $0x2780  }
0x25: {  	[sflag:s15] =	ssyncset.done $0x0  }
0x26: {  	[sflag:s15] =	ssyncadd.s32 $0xFFFFD880  }
.LBB2_1:
0x27: {  	[spmem:s14], [sflag:s10] =	dma.local [hbm:s9], $0x2780  }
.Ltmp2:
0x28: {  	_ =	swait.ge [sflag:s15], $0x2780;
	(pc) =	sbr.rel @p0 .LBB2_5-.Ltmp2, $4  }
0x29: {  	[sflag:s15] =	ssyncset.done $0x0  }
0x2a: {  	[sflag:s15] =	ssyncadd.s32 $0xFFFFD880  }
0x2b: {  	[bflag:$0x0] =	sbarrier.arrive $0xFFFF  }
0x2c: {  	s20 =	sadd.s32 $0x0, s13  }
0x2d: {  	[tilespmem:s3], [sflag:$0x2] =	stream.linear.gather [hbm4b:s20+s3], $0x80, $0x38;
	[tilespmem:$0x17D00] =	vst v63  }
0x2e: {  	_ =	swait.ge [sflag:s15], $0x80  }
0x2f: {  	[sflag:s15] =	ssyncset.done $0x0  }
0x30: {  	s31 =	sadd.s32 $0x0, s12;
	[sflag:s15] =	ssyncadd.s32 $0xFFFFFF80  }
0x31: {  	[tilespmem:s16], [sflag:$0x2] =	stream.linear.gather [hbm4b:s31+s3], $0x80, $0x38;
	[tilespmem:$0x17D00] =	vst v63  }
0x32: {  	_ =	swait.ge [sflag:s15], $0x80  }
0x33: {  	[sflag:s15] =	ssyncset.done $0x0  }
0x34: {  	[sflag:s15] =	ssyncadd.s32 $0xFFFFFF80  }
0x35: {  	[tilespmem:s17], [sflag:$0x1] =	stream.indirect.gather [hbm4b:s4+s16], $0x80, s3, s16, $0xb8;
	[tilespmem:$0x17D00] =	vst v63  }
0x36: {  	_ =	swait.ge [sflag:s18], $0x4000  }
0x37: {  	[sflag:s18] =	ssyncset.done $0x0  }
0x38: {  	[sflag:s18] =	ssyncadd.s32 $0xFFFFC000  }
0x39: {  	[spmem:s2] =	stream.indirect.scatter.add.f32 [tilespmem:s17], [sflag:$0x2], $0x80, s16, s16, $0xb8;
	[tilespmem:$0x17D00] =	vst v63  }
0x3a: {  	_ =	swait.ge [sflag:s15], $0x4000  }
0x3b: {  	s20 =	simm.s32 $0x10;
	s21 =	simm.s32 $0x20;
	[sflag:s15] =	ssyncset.done $0x0  }
.LBB2_3:
0x3c: {  	s22 =	sadd.s32 s20, s13  }
0x3d: {  	[sflag:s15] =	ssyncadd.s32 $0xFFFFC000;
	s23 =	smov.u32 s21;
	s24 =	sadd.s32 $0x10, s21  }
0x3e: {  	[tilespmem:s3], [sflag:$0x2] =	stream.linear.gather [hbm4b:s22+s3], $0x80, $0x38;
	[tilespmem:$0x17D00] =	vst v63  }
0x3f: {  	p1 =	seq.s32 s21, $0x9C0;
	_ =	swait.ge [sflag:s15], $0x80  }
0x40: {  	[sflag:s15] =	ssyncset.done $0x0  }
0x41: {  	s21 =	sadd.s32 s20, s12;
	s20 =	smov.u32 s23;
	[sflag:s15] =	ssyncadd.s32 $0xFFFFFF80  }
0x42: {  	[tilespmem:s16], [sflag:$0x2] =	stream.linear.gather [hbm4b:s21+s3], $0x80, $0x38;
	[tilespmem:$0x17D00] =	vst v63  }
0x43: {  	_ =	swait.ge [sflag:s15], $0x80  }
0x44: {  	[sflag:s15] =	ssyncset.done $0x0  }
0x45: {  	[sflag:s15] =	ssyncadd.s32 $0xFFFFFF80  }
0x46: {  	[tilespmem:s17], [sflag:$0x1] =	stream.indirect.gather [hbm4b:s4+s16], $0x80, s3, s16, $0xb8;
	[tilespmem:$0x17D00] =	vst v63  }
0x47: {  	_ =	swait.ge [sflag:s18], $0x4000  }
.Ltmp3:
0x48: {  	[sflag:s18] =	ssyncset.done $0x0;
	(pc) =	sbr.rel @!p1 .LBB2_3-.Ltmp3, $4  }
0x49: {  	[sflag:s18] =	ssyncadd.s32 $0xFFFFC000  }
0x4a: {  	[spmem:s2] =	stream.indirect.scatter.add.f32 [tilespmem:s17], [sflag:$0x2], $0x80, s16, s16, $0xb8;
	[tilespmem:$0x17D00] =	vst v63  }
0x4b: {  	_ =	swait.ge [sflag:s15], $0x4000  }
0x4c: {  	s21 =	smov.u32 s24;
	[sflag:s15] =	ssyncset.done $0x0  }
0x4d: {  	s21 =	sadd.s32 s20, s13;
	[sflag:s15] =	ssyncadd.s32 $0xFFFFC000  }
0x4e: {  	[tilespmem:s3], [sflag:$0x2] =	stream.linear.gather [hbm4b:s21+s3], $0x80, $0x38;
	[tilespmem:$0x17D00] =	vst v63  }
0x4f: {  	_ =	swait.ge [sflag:s15], $0x80  }
0x50: {  	[sflag:s15] =	ssyncset.done $0x0  }
0x51: {  	s31 =	sadd.s32 s20, s12;
	[sflag:s15] =	ssyncadd.s32 $0xFFFFFF80  }
0x52: {  	[tilespmem:s16], [sflag:$0x2] =	stream.linear.gather [hbm4b:s31+s3], $0x80, $0x38;
	[tilespmem:$0x17D00] =	vst v63  }
0x53: {  	_ =	swait.ge [sflag:s15], $0x80  }
0x54: {  	[sflag:s15] =	ssyncset.done $0x0  }
0x55: {  	[sflag:s15] =	ssyncadd.s32 $0xFFFFFF80  }
0x56: {  	[tilespmem:s17], [sflag:$0x1] =	stream.indirect.gather [hbm4b:s4+s16], $0x80, s3, s16, $0xb8;
	[tilespmem:$0x17D00] =	vst v63  }
0x57: {  	_ =	swait.ge [sflag:s18], $0x4000  }
0x58: {  	[sflag:s18] =	ssyncset.done $0x0  }
.Ltmp4:
0x59: {  	[sflag:s18] =	ssyncadd.s32 $0xFFFFC000;
	(pc) =	sbr.rel .LBB2_8-.Ltmp4, $4  }
0x5a: {  	[spmem:s2] =	stream.indirect.scatter.add.f32 [tilespmem:s17], [sflag:$0x2], $0x80, s16, s16, $0xb8;
	[tilespmem:$0x17D00] =	vst v63  }
0x5b: {  	_ =	swait.ge [sflag:s15], $0x4000  }
0x5c: {  	[sflag:s15] =	ssyncset.done $0x0  }
0x5d: {  	s20 =	smov.u32 s7;
	[sflag:s15] =	ssyncadd.s32 $0xFFFFC000  }
.LBB2_5:
0x5e: {  	[tilespmem:s3], [sflag:$0x2] =	stream.linear.gather [hbm4b:s20+s3], $0x80, $0x38;
	[tilespmem:$0x17D00] =	vst v63  }
0x5f: {  	_ =	swait.ge [sflag:s15], $0x80  }
0x60: {  	[sflag:s15] =	ssyncset.done $0x0  }
0x61: {  	s31 =	sadd.s32 $0x0, s12;
	[sflag:s15] =	ssyncadd.s32 $0xFFFFFF80  }
0x62: {  	[tilespmem:s16], [sflag:$0x2] =	stream.linear.gather [hbm4b:s31+s3], $0x80, $0x38;
	[tilespmem:$0x17D00] =	vst v63  }
0x63: {  	_ =	swait.ge [sflag:s15], $0x80  }
0x64: {  	[sflag:s15] =	ssyncset.done $0x0  }
0x65: {  	[sflag:s15] =	ssyncadd.s32 $0xFFFFFF80  }
0x66: {  	[tilespmem:s17], [sflag:$0x1] =	stream.indirect.gather [hbm4b:s5+s16], $0x80, s3, s16, $0xb8;
	[tilespmem:$0x17D00] =	vst v63  }
0x67: {  	_ =	swait.ge [sflag:s18], $0x4000  }
0x68: {  	[sflag:s18] =	ssyncset.done $0x0  }
0x69: {  	[sflag:s18] =	ssyncadd.s32 $0xFFFFC000  }
0x6a: {  	[spmem:s2] =	stream.indirect.scatter.add.f32 [tilespmem:s17], [sflag:$0x2], $0x80, s16, s16, $0xb8;
	[tilespmem:$0x17D00] =	vst v63  }
0x6b: {  	_ =	swait.ge [sflag:s15], $0x4000  }
0x6c: {  	s20 =	simm.s32 $0x10;
	s21 =	simm.s32 $0x20;
	[sflag:s15] =	ssyncset.done $0x0  }
.LBB2_6:
0x6d: {  	s22 =	sadd.s32 s20, s13  }
0x6e: {  	[sflag:s15] =	ssyncadd.s32 $0xFFFFC000;
	s23 =	smov.u32 s21;
	s24 =	sadd.s32 $0x10, s21  }
0x6f: {  	[tilespmem:s3], [sflag:$0x2] =	stream.linear.gather [hbm4b:s22+s3], $0x80, $0x38;
	[tilespmem:$0x17D00] =	vst v63  }
0x70: {  	p1 =	sne.s32 s21, $0x9C0;
	_ =	swait.ge [sflag:s15], $0x80  }
0x71: {  	[sflag:s15] =	ssyncset.done $0x0  }
0x72: {  	s21 =	sadd.s32 s20, s12;
	s20 =	smov.u32 s23;
	[sflag:s15] =	ssyncadd.s32 $0xFFFFFF80  }
0x73: {  	[tilespmem:s16], [sflag:$0x2] =	stream.linear.gather [hbm4b:s21+s3], $0x80, $0x38;
	[tilespmem:$0x17D00] =	vst v63  }
0x74: {  	_ =	swait.ge [sflag:s15], $0x80  }
0x75: {  	[sflag:s15] =	ssyncset.done $0x0  }
0x76: {  	[sflag:s15] =	ssyncadd.s32 $0xFFFFFF80  }
0x77: {  	[tilespmem:s17], [sflag:$0x1] =	stream.indirect.gather [hbm4b:s5+s16], $0x80, s3, s16, $0xb8;
	[tilespmem:$0x17D00] =	vst v63  }
0x78: {  	_ =	swait.ge [sflag:s18], $0x4000  }
.Ltmp5:
0x79: {  	[sflag:s18] =	ssyncset.done $0x0;
	(pc) =	sbr.rel @p1 .LBB2_6-.Ltmp5, $4  }
0x7a: {  	[sflag:s18] =	ssyncadd.s32 $0xFFFFC000  }
0x7b: {  	[spmem:s2] =	stream.indirect.scatter.add.f32 [tilespmem:s17], [sflag:$0x2], $0x80, s16, s16, $0xb8;
	[tilespmem:$0x17D00] =	vst v63  }
0x7c: {  	_ =	swait.ge [sflag:s15], $0x4000  }
0x7d: {  	s21 =	smov.u32 s24;
	[sflag:s15] =	ssyncset.done $0x0  }
.Ltmp6:
0x7e: {  	_ = 	snop;
	(pc) =	sbr.rel .LBB2_7-.Ltmp6, $1  }
0x7f: {  	_ =	sdelay $0x3  }
.LBB2_9:
0x80: {  	_ =	sfence.sel $0x180000  }
0x81: {  	[bflag:$0x0] =	sbarrier.arrive $0xFFFF  }
0x82: {  	p0 =	sne.s32 s1, $0x0;
	_ =	strace $0x90000047  }
0x83: {  	s0 =	sadd.s32 @!p0 $0x100000, s0;
	[bflag:$0x2] =	sbarrier.arrive $0xFFFF  }
0x84: {  	[sflag:s0] =	ssyncadd.tile.s32 @!p0 $0x1;
	_ =	shalt  }
.Lfunc_end2:
_tile_overlayer_lowered:
.L_overlay_start_2:
0x85: {  	(tag) =	ssettag $0x2  }
0x86: {  	s0 =	rddreg [dreg:$0x0];
	s2 =	stileid.u32  }
0x87: {  	s1 =	rddreg [dreg:$0x1];
	p0 =	sne.s32 s2, $0x0  }
0x88: {  	s3 =	rddreg [dreg:$0x2];
	[bflag:$0x3] =	sbarrier.arrive $0xFFFF;
	s2 =	simm.s32 @!p0 $0x1C02  }
0x89: {  	[timem:s3], [sflag:s2] =	dma.local @!p0 [hbm:s0], s1  }
0x8a: {  	s0 =	simm.s32 @!p0 $0x2  }
0x8b: {  	_ =	swait.ge @!p0 [sflag:s0], s1  }
0x8c: {  	s1 =	ssub.s32 @!p0 $0x0, s1;
	[sflag:s0] =	ssyncset.done @!p0 $0x0  }
0x8d: {  	[sflag:s0] =	ssyncadd.s32 @!p0 s1  }
0x8e: {  	[bflag:$0x3] =	sbarrier.arrive $0xFFFF  }
0x8f: {  	_ =	shalt  }

// kernel: kernel.13.cloned.1.call-start
scs
__scs_entry_jumppad:
0x0: {  	(pc) =	sbr.rel $0x88, $3  }
0x1: {  	(tag) =	ssettag $0x0;
	lr =	simm.s32 $0x1  }
0x2: {  	[smem:$0x3F78] =	sst lr;
	_ =	strace $0xD0000000  }
0x3: {  	_ = 	snop  }
0x4: {  	_ = 	snop  }
0x5: {  	_ = 	snop  }
0x6: {  	_ = 	snop  }
0x7: {  	_ = 	snop  }
__scs_overlays_trampoline_lowered:
0x8: {  	[smem:$0x3F87] =	sst s0  }
0x9: {  	[smem:$0x3F88] =	sst s1  }
0xa: {  	[smem:$0x3F89] =	sst s2  }
0xb: {  	[smem:$0x3F8A] =	sst s3  }
0xc: {  	[smem:$0x3F8B] =	sst s4  }
0xd: {  	[smem:$0x3F8C] =	sst s5  }
0xe: {  	[smem:$0x3F8D] =	sst s6  }
0xf: {  	[smem:$0x3F8E] =	sst s7  }
0x10: {  	[smem:$0x3F8F] =	sst s8  }
0x11: {  	[smem:$0x3F90] =	sst s9;
	s0 =	simm.s32 @!p0 $0x0  }
0x12: {  	s1 =	sld [smem:$0x3F76];
	s0 =	simm.s32 @p0 $0x1  }
0x13: {  	[smem:$0x3F91] =	sst s0;
	s0 =	simm.s32 @!p1 $0x0  }
0x14: {  	s2 =	sld [smem:$0x3F75];
	s0 =	simm.s32 @p1 $0x1  }
0x15: {  	[smem:$0x3F92] =	sst s0;
	s0 =	simm.s32 @!p2 $0x0  }
0x16: {  	s3 =	sld [smem:$0x3FDB];
	s0 =	simm.s32 @p2 $0x1  }
0x17: {  	s4 =	simm.s32 $0x1BF5;
	[smem:$0x3F94] =	sst s0  }
0x18: {  	s0 =	sld [smem:$0x3F77];
	_ =	swait.ge [sflag:s4], $0x0  }
0x19: {  	s7 =	sld [smem:$0x3F78]  }
0x1a: {  	s8 =	sadd.s32 $0xFFFFE003, lr  }
0x1b: {  	s9 =	sadd.s32 $0xFFFFFEF7, lr;
	s5 =	simm.s32 $0xFFFFFFFF;
	p2 =	slt.u32 s8, $0xFFFFF086  }
0x1c: {  	p1 =	slt.u32 s9, $0xF7A;
	s5 =	simm.s32 @!p2 $0x0  }
0x1d: {  	s5 =	simm.s32 @p1 $0x1;
	p0 =	seq.s32 s7, s2  }
0x1e: {  	s7 =	smul.u32 @!p0 $0xF7A, s2;
	p2 =	seq.s32 @!p0 s5, $0x0  }
0x1f: {  	s9 =	smul.u32 $0xF7A, s1;
	s8 =	simm.s32 @!p0 $0x1BF5;
	p2 =	por !p2, p0  }
0x20: {  	[sflag:s8] =	ssyncset.s32 @!p0 $0xFFFFF086;
	s6 =	sadd.s32 @!p0 s3, s7;
	s7 =	simm.s32 @!p0 $0x108  }
0x21: {  	s3 =	sadd.s32 s3, s9;
	s6 =	sadd.s32 @!p0 $0x88, s6;
	s7 =	simm.s32 @p2 $0x1082  }
0x22: {  	[simem:s7], [sflag:s8] =	dma.local @!p0 [hbm:s6], $0xF7A  }
0x23: {  	s9 =	sor.u32 $0xD0000000, s2;
	s6 =	simm.s32 $0x108;
	_ =	swait.ge @!p0 [sflag:s8], $0x0  }
0x24: {  	s3 =	sadd.s32 $0x88, s3;
	s6 =	simm.s32 @!p1 $0x1082;
	[sflag:s4] =	ssyncset.s32 $0xFFFFF086  }
0x25: {  	[simem:s6], [sflag:s4] =	dma.local [hbm:s3], $0xF7A  }
0x26: {  	[smem:$0x3F78] =	sst s1;
	(tag) =	ssettag s2;
	_ =	strace s9  }
0x27: {  	s1 =	sld [smem:$0x3F88]  }
0x28: {  	s2 =	sld [smem:$0x3F89]  }
0x29: {  	s4 =	sld [smem:$0x3F8B]  }
0x2a: {  	p0 =	seq.s32 s5, $0x0;
	s5 =	sld [smem:$0x3F8C]  }
0x2b: {  	s6 =	sld [smem:$0x3F8D]  }
0x2c: {  	s7 =	sld [smem:$0x3F8E]  }
0x2d: {  	s3 =	simm.s32 $0x108;
	s8 =	sld [smem:$0x3F8F]  }
0x2e: {  	s3 =	simm.s32 @!p0 $0x1082;
	s9 =	sld [smem:$0x3F90]  }
0x2f: {  	lr =	sadd.s32 s0, s3;
	s0 =	sld [smem:$0x3F87]  }
0x30: {  	s3 =	sld [smem:$0x3F8A]  }
0x31: {  	[smem:$0x3F93] =	sst s10  }
0x32: {  	s10 =	sld [smem:$0x3F91];
	_ =	sdelay $0x3  }
0x33: {  	p0 =	seq.s32 s10, $0x1;
	s10 =	sld [smem:$0x3F93];
	_ =	sdelay $0x3  }
0x34: {  	[smem:$0x3F93] =	sst s10  }
0x35: {  	s10 =	sld [smem:$0x3F92];
	_ =	sdelay $0x3  }
0x36: {  	p1 =	seq.s32 s10, $0x1;
	s10 =	sld [smem:$0x3F93];
	_ =	sdelay $0x3  }
0x37: {  	[smem:$0x3F93] =	sst s10  }
0x38: {  	s10 =	sld [smem:$0x3F94]  }
0x39: {  	_ = 	snop;
	(pc) =	sbr.ind lr, $3  }
0x3a: {  	_ = 	snop  }
0x3b: {  	_ = 	snop  }
0x3c: {  	p2 =	seq.s32 s10, $0x1;
	s10 =	sld [smem:$0x3F93]  }
0x3d: {  	_ =	shalt  }
0x3e: {  	_ =	shalt  }
0x3f: {  	_ =	shalt  }
0x40: {  	_ =	shalt  }
0x41: {  	_ =	shalt  }
0x42: {  	_ =	shalt  }
0x43: {  	_ =	shalt  }
0x44: {  	_ =	shalt  }
0x45: {  	_ =	shalt  }
0x46: {  	_ =	shalt  }
0x47: {  	_ =	shalt  }
0x48: {  	_ =	shalt  }
0x49: {  	_ =	shalt  }
0x4a: {  	_ =	shalt  }
0x4b: {  	_ =	shalt  }
0x4c: {  	_ =	shalt  }
0x4d: {  	_ =	shalt  }
0x4e: {  	_ =	shalt  }
0x4f: {  	_ =	shalt  }
0x50: {  	_ =	shalt  }
0x51: {  	_ =	shalt  }
0x52: {  	_ =	shalt  }
0x53: {  	_ =	shalt  }
0x54: {  	_ =	shalt  }
0x55: {  	_ =	shalt  }
0x56: {  	_ =	shalt  }
0x57: {  	_ =	shalt  }
0x58: {  	_ =	shalt  }
0x59: {  	_ =	shalt  }
0x5a: {  	_ =	shalt  }
0x5b: {  	_ =	shalt  }
0x5c: {  	_ =	shalt  }
0x5d: {  	_ =	shalt  }
0x5e: {  	_ =	shalt  }
0x5f: {  	_ =	shalt  }
0x60: {  	_ =	shalt  }
0x61: {  	_ =	shalt  }
0x62: {  	_ =	shalt  }
0x63: {  	_ =	shalt  }
0x64: {  	_ =	shalt  }
0x65: {  	_ =	shalt  }
0x66: {  	_ =	shalt  }
0x67: {  	_ =	shalt  }
0x68: {  	_ =	shalt  }
0x69: {  	_ =	shalt  }
0x6a: {  	_ =	shalt  }
0x6b: {  	_ =	shalt  }
0x6c: {  	_ =	shalt  }
0x6d: {  	_ =	shalt  }
0x6e: {  	_ =	shalt  }
0x6f: {  	_ =	shalt  }
0x70: {  	_ =	shalt  }
0x71: {  	_ =	shalt  }
0x72: {  	_ =	shalt  }
0x73: {  	_ =	shalt  }
0x74: {  	_ =	shalt  }
0x75: {  	_ =	shalt  }
0x76: {  	_ =	shalt  }
0x77: {  	_ =	shalt  }
0x78: {  	_ =	shalt  }
0x79: {  	_ =	shalt  }
0x7a: {  	_ =	shalt  }
0x7b: {  	_ =	shalt  }
0x7c: {  	_ =	shalt  }
0x7d: {  	_ =	shalt  }
0x7e: {  	_ =	shalt  }
0x7f: {  	_ =	shalt  }
0x80: {  	_ =	shalt  }
0x81: {  	_ =	shalt  }
0x82: {  	_ =	shalt  }
0x83: {  	_ =	shalt  }
0x84: {  	_ =	shalt  }
0x85: {  	_ =	shalt  }
0x86: {  	_ =	shalt  }
0x87: {  	_ =	shalt  }
.Lfunc_end0:
.L_simem_size_0:
called_computation.1_lowered:
.L_overlay_start_0:
0x88: {  	s2 =	sld [smem:$0x3FD9]  }
0x89: {  	s3 =	sld [smem:$0x3FFE];
	_ =	sdelay $0x1  }
0x8a: {  	s1 =	srdreg.scid  }
0x8b: {  	s0 =	sand.u32 $0x1, s1  }
0x8c: {  	s16 =	sshll.u32 s0, $0xA;
	s2 =	sadd.s32 s3, s2  }
0x8d: {  	s2 =	sadd.s32 s2, s16  }
0x8e: {  	[smem:$0x3F9F] =	sst s2  }
0x8f: {  	_ = 	snop  }
0x90: {  	(tm) =	ssettm $0x1  }
0x91: {  	s17 =	sld [smem:$0x3FFB];
	_ =	sdelay $0x3  }
0x92: {  	_ =	strace s17  }
0x93: {  	s2 =	sld [smem:$0x3FFC];
	_ =	sdelay $0x3  }
0x94: {  	_ =	strace s2  }
0x95: {  	s2 =	sld [smem:$0x3FFD];
	_ =	sdelay $0x3  }
0x96: {  	_ =	strace s2  }
0x97: {  	_ =	strace $0x8FFFFFFF  }
0x98: {  	s18 =	sld [smem:$0x3FDB];
	_ =	sdelay $0x1  }
0x99: {  	s19 =	simm.s32 $_scs_section_size  }
0x9a: {  	s4 =	simm.s32 $_size__tile_overlayer_lowered;
	s5 =	simm.s32 $_tile_overlayer_lowered  }
0x9b: {  	s22 =	simm.s32 $0x1BFF;
	s21 =	sshll.u32 s5, $0x1;
	s2 =	sadd.s32 s19, s18  }
0x9c: {  	s6 =	simm.s32 $0x0;
	s20 =	sshll.u32 s4, $0x1;
	s4 =	sadd.s32 s21, s2  }
0x9d: {  	[timem:s6], [sflag:s22] =	dma.local [hbm:s4], s20  }
0x9e: {  	_ =	swait.ge [sflag:s22], s20  }
0x9f: {  	s3 =	ssub.s32 $0x0, s20;
	[sflag:s22] =	ssyncset.done $0x0  }
0xa0: {  	[sflag:s22] =	ssyncadd.s32 s3;
	_ =	sdelay $0x1  }
0xa1: {  	s23 =	simm.s32 $0x1B8B  }
0xa2: {  	_ =	swait.ge [sflag:s23], $0x1  }
0xa3: {  	[sflag:s23] =	ssyncset.done $0x0  }
0xa4: {  	s25 =	simm.s32 $0x1B8E;
	s24 =	sld [smem:$0x3FFE];
	[sflag:s23] =	ssyncadd.s32 $0xFFFFFFFF  }
0xa5: {  	s26 =	simm.s32 $execute0_lowered;
	[smem:$0x3FD2] =	sst s25  }
0xa6: {  	s4 =	sshll.u32 s26, $0x1;
	_ =	strace $0x80000049;
	[dreg:$0x1] =	wrdreg $0xFFFFFFFF  }
0xa7: {  	s28 =	simm.s32 $_size_execute0_lowered;
	s2 =	sadd.s32 s2, s4;
	[dreg:$0x0] =	wrdreg $0x0  }
0xa8: {  	s4 =	sshll.u32 s28, $0x1;
	[dreg:$0x2] =	wrdreg s2  }
0xa9: {  	[dreg:$0x3] =	wrdreg s4  }
0xaa: {  	[dreg:$0x4] =	wrdreg $0xC0  }
0xab: {  	_ =	task [dreg:s6], $0x5FFFF  }
0xac: {  	[dreg:$0x1] =	wrdreg $0xFFFFFFFF  }
0xad: {  	[dreg:$0x0] =	wrdreg $0x60  }
0xae: {  	[dreg:$0x2] =	wrdreg s24  }
0xaf: {  	[dreg:$0x3] =	wrdreg $0x41000  }
0xb0: {  	[dreg:$0x4] =	wrdreg $0x9  }
0xb1: {  	_ =	task.clear_ibuf [dreg:s6], $0x5FFFF;
	_ =	strace $0x90000049  }
0xb2: {  	s29 =	simm.s32 $0x9;
	_ =	strace $0x8000004B  }
0xb3: {  	_ =	swait.ge [sflag:s29], $0x1  }
0xb4: {  	[sflag:s29] =	ssyncadd.s32 $0xFFFFFFFF  }
0xb5: {  	_ =	strace $0x9000004B  }
0xb6: {  	_ =	sfence  }
0xb7: {  	s30 =	sld [smem:$0x0];
	_ =	sdelay $0x2  }
0xb8: {  	s31 =	sshll.u32 s1, $0xD;
	s1 =	sshrl.u32 s1, $0x2  }
0xb9: {  	s3 =	sand.u32 $0x4000, s31;
	s1 =	sadd.s32 s1, s30  }
0xba: {  	s0 =	sor.u32 s3, s0;
	s1 =	sshll.u32 s1, $0x11  }
0xbb: {  	s0 =	sor.u32 s1, s0  }
0xbc: {  	s0 =	sadd.s32 $0x8F2B, s0  }
0xbd: {  	[sflag:s0] =	ssyncadd.remote.s32 $0x1  }
0xbe: {  	_ =	sfence.sel $0xFFFF  }
0xbf: {  	[dreg:$0x0] =	wrdreg $0xFFFFFFFF;
	(pc) =	sbr.abs _section_cstart, $3  }
0xc0: {  	[dreg:$0x1] =	wrdreg $0xFFFFFFFF  }
0xc1: {  	_ =	task.clear_ibuf [dreg:s6], $0x2FFFF;
	_ =	strace $0x9FFFFFFF  }
0xc2: {  	(tm) =	ssettm $0x7FFFFFFF  }
0xc3: {  	_ =	shalt  }
tec
execute0_lowered:
.L_overlay_start_1:
0x0: {  	(tag) =	ssettag $0x1  }
0x1: {  	s8 =	rddreg [dreg:$0x0]  }
0x2: {  	s2 =	rddreg [dreg:$0x1]  }
0x3: {  	s0 =	rddreg [dreg:$0x2];
	s3 =	simm.s32 $0x0  }
0x4: {  	s1 =	stileid.u32;
	s9 =	srdreg.scid;
	s16 =	simm.s32 $0x80  }
0x5: {  	s17 =	simm.s32 $0x100;
	s18 =	simm.s32 $0x1;
	s19 =	simm.s32 $0x0  }
0x6: {  	[smem:$0x7FF] =	sst s3;
	s4 =	sadd.s32 $0x1CC00, s8;
	s7 =	smul.u32 $0x9D0, s1  }
0x7: {  	s5 =	sadd.s32 $0x43E00, s8;
	s6 =	smul.u32 $0x2780, s1;
	s14 =	sand.u32 $0x1, s9  }
0x8: {  	s30 =	smul.u32 $0x4F000, s1;
	s31 =	sshll.u32 s1, $0x6;
	_ =	strace $0x8000004A  }
0x9: {  	s11 =	ssub.s32 $0x2, s14;
	p0 =	sne.s32 s14, $0x0;
	s13 =	sadd.s32 s7, s8  }
.Ltmp0:
0xa: {  	s10 =	sadd.s32 s6, s8;
	s7 =	sadd.s32 $0xE0C00, s8;
	(pc) =	sbr.rel .LBB2_1-.Ltmp0, $4  }
0xb: {  	s8 =	sadd.s32 $0x108400, s8;
	s12 =	sshrl.u32 s11, $0x1;
	s9 =	sshrl.u32 s30, $0x2  }
0xc: {  	s11 =	ssub.s32 s11, s12;
	s15 =	sadd.s32 s9, s2;
	s9 =	sadd.s32 $0x92200, s10  }
0xd: {  	s10 =	sor.u32 $0x1C02, s31;
	s12 =	sadd.s32 $0x9000, s13;
	s13 =	sadd.s32 $0x12E00, s13  }
0xe: {  	s11 =	smax.u32 s11, $0x1;
	s14 =	sshrl.u32 s15, $0x3;
	s15 =	simm.s32 $0x2  }
.LBB2_7:
0xf: {  	s21 =	sadd.s32 s20, s13;
	[sflag:s15] =	ssyncadd.s32 $0xFFFFC000  }
0x10: {  	[tilespmem:s3], [sflag:$0x2] =	stream.linear.gather [hbm4b:s21+s3], $0x80, $0x38;
	[tilespmem:$0x17D00] =	vst v63  }
0x11: {  	_ =	swait.ge [sflag:s15], $0x80  }
0x12: {  	[sflag:s15] =	ssyncset.done $0x0  }
0x13: {  	s31 =	sadd.s32 s20, s12;
	[sflag:s15] =	ssyncadd.s32 $0xFFFFFF80  }
0x14: {  	[tilespmem:s16], [sflag:$0x2] =	stream.linear.gather [hbm4b:s31+s3], $0x80, $0x38;
	[tilespmem:$0x17D00] =	vst v63  }
0x15: {  	_ =	swait.ge [sflag:s15], $0x80  }
0x16: {  	[sflag:s15] =	ssyncset.done $0x0  }
0x17: {  	[sflag:s15] =	ssyncadd.s32 $0xFFFFFF80  }
0x18: {  	[tilespmem:s17], [sflag:$0x1] =	stream.indirect.gather [hbm4b:s5+s16], $0x80, s3, s16, $0xb8;
	[tilespmem:$0x17D00] =	vst v63  }
0x19: {  	_ =	swait.ge [sflag:s18], $0x4000  }
0x1a: {  	[sflag:s18] =	ssyncset.done $0x0  }
0x1b: {  	[sflag:s18] =	ssyncadd.s32 $0xFFFFC000  }
0x1c: {  	[spmem:s2] =	stream.indirect.scatter.add.f32 [tilespmem:s17], [sflag:$0x2], $0x80, s16, s16, $0xb8;
	[tilespmem:$0x17D00] =	vst v63  }
0x1d: {  	_ =	swait.ge [sflag:s15], $0x4000  }
0x1e: {  	[sflag:s15] =	ssyncset.done $0x0  }
0x1f: {  	s20 =	smov.u32 s8;
	[sflag:s15] =	ssyncadd.s32 $0xFFFFC000  }
.LBB2_8:
0x20: {  	s19 =	sadd.s32 $0x1, s19  }
0x21: {  	p1 =	sne.s32 s19, s11  }
.Ltmp1:
0x22: {  	s20 =	sadd.s32 s20, s6;
	[bflag:$0x0] =	sbarrier.arrive $0xFFFF;
	(pc) =	sbr.rel @!p1 .LBB2_9-.Ltmp1, $4  }
0x23: {  	[hbm:s20], [sflag:s10] =	dma.local [spmem:s14], $0x2780  }
0x24: {  	_ =	swait.ge [sflag:s15], $0x2780  }
0x25: {  	[sflag:s15] =	ssyncset.done $0x0  }
0x26: {  	[sflag:s15] =	ssyncadd.s32 $0xFFFFD880  }
.LBB2_1:
0x27: {  	[spmem:s14], [sflag:s10] =	dma.local [hbm:s9], $0x2780  }
.Ltmp2:
0x28: {  	_ =	swait.ge [sflag:s15], $0x2780;
	(pc) =	sbr.rel @p0 .LBB2_5-.Ltmp2, $4  }
0x29: {  	[sflag:s15] =	ssyncset.done $0x0  }
0x2a: {  	[sflag:s15] =	ssyncadd.s32 $0xFFFFD880  }
0x2b: {  	[bflag:$0x0] =	sbarrier.arrive $0xFFFF  }
0x2c: {  	s20 =	sadd.s32 $0x0, s13  }
0x2d: {  	[tilespmem:s3], [sflag:$0x2] =	stream.linear.gather [hbm4b:s20+s3], $0x80, $0x38;
	[tilespmem:$0x17D00] =	vst v63  }
0x2e: {  	_ =	swait.ge [sflag:s15], $0x80  }
0x2f: {  	[sflag:s15] =	ssyncset.done $0x0  }
0x30: {  	s31 =	sadd.s32 $0x0, s12;
	[sflag:s15] =	ssyncadd.s32 $0xFFFFFF80  }
0x31: {  	[tilespmem:s16], [sflag:$0x2] =	stream.linear.gather [hbm4b:s31+s3], $0x80, $0x38;
	[tilespmem:$0x17D00] =	vst v63  }
0x32: {  	_ =	swait.ge [sflag:s15], $0x80  }
0x33: {  	[sflag:s15] =	ssyncset.done $0x0  }
0x34: {  	[sflag:s15] =	ssyncadd.s32 $0xFFFFFF80  }
0x35: {  	[tilespmem:s17], [sflag:$0x1] =	stream.indirect.gather [hbm4b:s4+s16], $0x80, s3, s16, $0xb8;
	[tilespmem:$0x17D00] =	vst v63  }
0x36: {  	_ =	swait.ge [sflag:s18], $0x4000  }
0x37: {  	[sflag:s18] =	ssyncset.done $0x0  }
0x38: {  	[sflag:s18] =	ssyncadd.s32 $0xFFFFC000  }
0x39: {  	[spmem:s2] =	stream.indirect.scatter.add.f32 [tilespmem:s17], [sflag:$0x2], $0x80, s16, s16, $0xb8;
	[tilespmem:$0x17D00] =	vst v63  }
0x3a: {  	_ =	swait.ge [sflag:s15], $0x4000  }
0x3b: {  	s20 =	simm.s32 $0x10;
	s21 =	simm.s32 $0x20;
	[sflag:s15] =	ssyncset.done $0x0  }
.LBB2_3:
0x3c: {  	s22 =	sadd.s32 s20, s13  }
0x3d: {  	[sflag:s15] =	ssyncadd.s32 $0xFFFFC000;
	s23 =	smov.u32 s21;
	s24 =	sadd.s32 $0x10, s21  }
0x3e: {  	[tilespmem:s3], [sflag:$0x2] =	stream.linear.gather [hbm4b:s22+s3], $0x80, $0x38;
	[tilespmem:$0x17D00] =	vst v63  }
0x3f: {  	p1 =	seq.s32 s21, $0x9C0;
	_ =	swait.ge [sflag:s15], $0x80  }
0x40: {  	[sflag:s15] =	ssyncset.done $0x0  }
0x41: {  	s21 =	sadd.s32 s20, s12;
	s20 =	smov.u32 s23;
	[sflag:s15] =	ssyncadd.s32 $0xFFFFFF80  }
0x42: {  	[tilespmem:s16], [sflag:$0x2] =	stream.linear.gather [hbm4b:s21+s3], $0x80, $0x38;
	[tilespmem:$0x17D00] =	vst v63  }
0x43: {  	_ =	swait.ge [sflag:s15], $0x80  }
0x44: {  	[sflag:s15] =	ssyncset.done $0x0  }
0x45: {  	[sflag:s15] =	ssyncadd.s32 $0xFFFFFF80  }
0x46: {  	[tilespmem:s17], [sflag:$0x1] =	stream.indirect.gather [hbm4b:s4+s16], $0x80, s3, s16, $0xb8;
	[tilespmem:$0x17D00] =	vst v63  }
0x47: {  	_ =	swait.ge [sflag:s18], $0x4000  }
.Ltmp3:
0x48: {  	[sflag:s18] =	ssyncset.done $0x0;
	(pc) =	sbr.rel @!p1 .LBB2_3-.Ltmp3, $4  }
0x49: {  	[sflag:s18] =	ssyncadd.s32 $0xFFFFC000  }
0x4a: {  	[spmem:s2] =	stream.indirect.scatter.add.f32 [tilespmem:s17], [sflag:$0x2], $0x80, s16, s16, $0xb8;
	[tilespmem:$0x17D00] =	vst v63  }
0x4b: {  	_ =	swait.ge [sflag:s15], $0x4000  }
0x4c: {  	s21 =	smov.u32 s24;
	[sflag:s15] =	ssyncset.done $0x0  }
0x4d: {  	s21 =	sadd.s32 s20, s13;
	[sflag:s15] =	ssyncadd.s32 $0xFFFFC000  }
0x4e: {  	[tilespmem:s3], [sflag:$0x2] =	stream.linear.gather [hbm4b:s21+s3], $0x80, $0x38;
	[tilespmem:$0x17D00] =	vst v63  }
0x4f: {  	_ =	swait.ge [sflag:s15], $0x80  }
0x50: {  	[sflag:s15] =	ssyncset.done $0x0  }
0x51: {  	s31 =	sadd.s32 s20, s12;
	[sflag:s15] =	ssyncadd.s32 $0xFFFFFF80  }
0x52: {  	[tilespmem:s16], [sflag:$0x2] =	stream.linear.gather [hbm4b:s31+s3], $0x80, $0x38;
	[tilespmem:$0x17D00] =	vst v63  }
0x53: {  	_ =	swait.ge [sflag:s15], $0x80  }
0x54: {  	[sflag:s15] =	ssyncset.done $0x0  }
0x55: {  	[sflag:s15] =	ssyncadd.s32 $0xFFFFFF80  }
0x56: {  	[tilespmem:s17], [sflag:$0x1] =	stream.indirect.gather [hbm4b:s4+s16], $0x80, s3, s16, $0xb8;
	[tilespmem:$0x17D00] =	vst v63  }
0x57: {  	_ =	swait.ge [sflag:s18], $0x4000  }
0x58: {  	[sflag:s18] =	ssyncset.done $0x0  }
.Ltmp4:
0x59: {  	[sflag:s18] =	ssyncadd.s32 $0xFFFFC000;
	(pc) =	sbr.rel .LBB2_8-.Ltmp4, $4  }
0x5a: {  	[spmem:s2] =	stream.indirect.scatter.add.f32 [tilespmem:s17], [sflag:$0x2], $0x80, s16, s16, $0xb8;
	[tilespmem:$0x17D00] =	vst v63  }
0x5b: {  	_ =	swait.ge [sflag:s15], $0x4000  }
0x5c: {  	[sflag:s15] =	ssyncset.done $0x0  }
0x5d: {  	s20 =	smov.u32 s7;
	[sflag:s15] =	ssyncadd.s32 $0xFFFFC000  }
.LBB2_5:
0x5e: {  	[tilespmem:s3], [sflag:$0x2] =	stream.linear.gather [hbm4b:s20+s3], $0x80, $0x38;
	[tilespmem:$0x17D00] =	vst v63  }
0x5f: {  	_ =	swait.ge [sflag:s15], $0x80  }
0x60: {  	[sflag:s15] =	ssyncset.done $0x0  }
0x61: {  	s31 =	sadd.s32 $0x0, s12;
	[sflag:s15] =	ssyncadd.s32 $0xFFFFFF80  }
0x62: {  	[tilespmem:s16], [sflag:$0x2] =	stream.linear.gather [hbm4b:s31+s3], $0x80, $0x38;
	[tilespmem:$0x17D00] =	vst v63  }
0x63: {  	_ =	swait.ge [sflag:s15], $0x80  }
0x64: {  	[sflag:s15] =	ssyncset.done $0x0  }
0x65: {  	[sflag:s15] =	ssyncadd.s32 $0xFFFFFF80  }
0x66: {  	[tilespmem:s17], [sflag:$0x1] =	stream.indirect.gather [hbm4b:s5+s16], $0x80, s3, s16, $0xb8;
	[tilespmem:$0x17D00] =	vst v63  }
0x67: {  	_ =	swait.ge [sflag:s18], $0x4000  }
0x68: {  	[sflag:s18] =	ssyncset.done $0x0  }
0x69: {  	[sflag:s18] =	ssyncadd.s32 $0xFFFFC000  }
0x6a: {  	[spmem:s2] =	stream.indirect.scatter.add.f32 [tilespmem:s17], [sflag:$0x2], $0x80, s16, s16, $0xb8;
	[tilespmem:$0x17D00] =	vst v63  }
0x6b: {  	_ =	swait.ge [sflag:s15], $0x4000  }
0x6c: {  	s20 =	simm.s32 $0x10;
	s21 =	simm.s32 $0x20;
	[sflag:s15] =	ssyncset.done $0x0  }
.LBB2_6:
0x6d: {  	s22 =	sadd.s32 s20, s13  }
0x6e: {  	[sflag:s15] =	ssyncadd.s32 $0xFFFFC000;
	s23 =	smov.u32 s21;
	s24 =	sadd.s32 $0x10, s21  }
0x6f: {  	[tilespmem:s3], [sflag:$0x2] =	stream.linear.gather [hbm4b:s22+s3], $0x80, $0x38;
	[tilespmem:$0x17D00] =	vst v63  }
0x70: {  	p1 =	sne.s32 s21, $0x9C0;
	_ =	swait.ge [sflag:s15], $0x80  }
0x71: {  	[sflag:s15] =	ssyncset.done $0x0  }
0x72: {  	s21 =	sadd.s32 s20, s12;
	s20 =	smov.u32 s23;
	[sflag:s15] =	ssyncadd.s32 $0xFFFFFF80  }
0x73: {  	[tilespmem:s16], [sflag:$0x2] =	stream.linear.gather [hbm4b:s21+s3], $0x80, $0x38;
	[tilespmem:$0x17D00] =	vst v63  }
0x74: {  	_ =	swait.ge [sflag:s15], $0x80  }
0x75: {  	[sflag:s15] =	ssyncset.done $0x0  }
0x76: {  	[sflag:s15] =	ssyncadd.s32 $0xFFFFFF80  }
0x77: {  	[tilespmem:s17], [sflag:$0x1] =	stream.indirect.gather [hbm4b:s5+s16], $0x80, s3, s16, $0xb8;
	[tilespmem:$0x17D00] =	vst v63  }
0x78: {  	_ =	swait.ge [sflag:s18], $0x4000  }
.Ltmp5:
0x79: {  	[sflag:s18] =	ssyncset.done $0x0;
	(pc) =	sbr.rel @p1 .LBB2_6-.Ltmp5, $4  }
0x7a: {  	[sflag:s18] =	ssyncadd.s32 $0xFFFFC000  }
0x7b: {  	[spmem:s2] =	stream.indirect.scatter.add.f32 [tilespmem:s17], [sflag:$0x2], $0x80, s16, s16, $0xb8;
	[tilespmem:$0x17D00] =	vst v63  }
0x7c: {  	_ =	swait.ge [sflag:s15], $0x4000  }
0x7d: {  	s21 =	smov.u32 s24;
	[sflag:s15] =	ssyncset.done $0x0  }
.Ltmp6:
0x7e: {  	_ = 	snop;
	(pc) =	sbr.rel .LBB2_7-.Ltmp6, $1  }
0x7f: {  	_ =	sdelay $0x3  }
.LBB2_9:
0x80: {  	_ =	sfence.sel $0x180000  }
0x81: {  	[bflag:$0x0] =	sbarrier.arrive $0xFFFF  }
0x82: {  	p0 =	sne.s32 s1, $0x0;
	_ =	strace $0x9000004A  }
0x83: {  	s0 =	sadd.s32 @!p0 $0x100000, s0;
	[bflag:$0x2] =	sbarrier.arrive $0xFFFF  }
0x84: {  	[sflag:s0] =	ssyncadd.tile.s32 @!p0 $0x1;
	_ =	shalt  }
.Lfunc_end2:
_tile_overlayer_lowered:
.L_overlay_start_2:
0x85: {  	(tag) =	ssettag $0x2  }
0x86: {  	s0 =	rddreg [dreg:$0x0];
	s2 =	stileid.u32  }
0x87: {  	s1 =	rddreg [dreg:$0x1];
	p0 =	sne.s32 s2, $0x0  }
0x88: {  	s3 =	rddreg [dreg:$0x2];
	[bflag:$0x3] =	sbarrier.arrive $0xFFFF;
	s2 =	simm.s32 @!p0 $0x1C02  }
0x89: {  	[timem:s3], [sflag:s2] =	dma.local @!p0 [hbm:s0], s1  }
0x8a: {  	s0 =	simm.s32 @!p0 $0x2  }
0x8b: {  	_ =	swait.ge @!p0 [sflag:s0], s1  }
0x8c: {  	s1 =	ssub.s32 @!p0 $0x0, s1;
	[sflag:s0] =	ssyncset.done @!p0 $0x0  }
0x8d: {  	[sflag:s0] =	ssyncadd.s32 @!p0 s1  }
0x8e: {  	[bflag:$0x3] =	sbarrier.arrive $0xFFFF  }
0x8f: {  	_ =	shalt  }

// kernel: kernel.16.cloned.1.call-start
scs
__scs_entry_jumppad:
0x0: {  	(pc) =	sbr.rel $0x88, $3  }
0x1: {  	(tag) =	ssettag $0x0;
	lr =	simm.s32 $0x1  }
0x2: {  	[smem:$0x3F78] =	sst lr;
	_ =	strace $0xD0000000  }
0x3: {  	_ = 	snop  }
0x4: {  	_ = 	snop  }
0x5: {  	_ = 	snop  }
0x6: {  	_ = 	snop  }
0x7: {  	_ = 	snop  }
__scs_overlays_trampoline_lowered:
0x8: {  	[smem:$0x3F87] =	sst s0  }
0x9: {  	[smem:$0x3F88] =	sst s1  }
0xa: {  	[smem:$0x3F89] =	sst s2  }
0xb: {  	[smem:$0x3F8A] =	sst s3  }
0xc: {  	[smem:$0x3F8B] =	sst s4  }
0xd: {  	[smem:$0x3F8C] =	sst s5  }
0xe: {  	[smem:$0x3F8D] =	sst s6  }
0xf: {  	[smem:$0x3F8E] =	sst s7  }
0x10: {  	[smem:$0x3F8F] =	sst s8  }
0x11: {  	[smem:$0x3F90] =	sst s9;
	s0 =	simm.s32 @!p0 $0x0  }
0x12: {  	s1 =	sld [smem:$0x3F76];
	s0 =	simm.s32 @p0 $0x1  }
0x13: {  	[smem:$0x3F91] =	sst s0;
	s0 =	simm.s32 @!p1 $0x0  }
0x14: {  	s2 =	sld [smem:$0x3F75];
	s0 =	simm.s32 @p1 $0x1  }
0x15: {  	[smem:$0x3F92] =	sst s0;
	s0 =	simm.s32 @!p2 $0x0  }
0x16: {  	s3 =	sld [smem:$0x3FDB];
	s0 =	simm.s32 @p2 $0x1  }
0x17: {  	s4 =	simm.s32 $0x1BF5;
	[smem:$0x3F94] =	sst s0  }
0x18: {  	s0 =	sld [smem:$0x3F77];
	_ =	swait.ge [sflag:s4], $0x0  }
0x19: {  	s7 =	sld [smem:$0x3F78]  }
0x1a: {  	s8 =	sadd.s32 $0xFFFFE003, lr  }
0x1b: {  	s9 =	sadd.s32 $0xFFFFFEF7, lr;
	s5 =	simm.s32 $0xFFFFFFFF;
	p2 =	slt.u32 s8, $0xFFFFF086  }
0x1c: {  	p1 =	slt.u32 s9, $0xF7A;
	s5 =	simm.s32 @!p2 $0x0  }
0x1d: {  	s5 =	simm.s32 @p1 $0x1;
	p0 =	seq.s32 s7, s2  }
0x1e: {  	s7 =	smul.u32 @!p0 $0xF7A, s2;
	p2 =	seq.s32 @!p0 s5, $0x0  }
0x1f: {  	s9 =	smul.u32 $0xF7A, s1;
	s8 =	simm.s32 @!p0 $0x1BF5;
	p2 =	por !p2, p0  }
0x20: {  	[sflag:s8] =	ssyncset.s32 @!p0 $0xFFFFF086;
	s6 =	sadd.s32 @!p0 s3, s7;
	s7 =	simm.s32 @!p0 $0x108  }
0x21: {  	s3 =	sadd.s32 s3, s9;
	s6 =	sadd.s32 @!p0 $0x88, s6;
	s7 =	simm.s32 @p2 $0x1082  }
0x22: {  	[simem:s7], [sflag:s8] =	dma.local @!p0 [hbm:s6], $0xF7A  }
0x23: {  	s9 =	sor.u32 $0xD0000000, s2;
	s6 =	simm.s32 $0x108;
	_ =	swait.ge @!p0 [sflag:s8], $0x0  }
0x24: {  	s3 =	sadd.s32 $0x88, s3;
	s6 =	simm.s32 @!p1 $0x1082;
	[sflag:s4] =	ssyncset.s32 $0xFFFFF086  }
0x25: {  	[simem:s6], [sflag:s4] =	dma.local [hbm:s3], $0xF7A  }
0x26: {  	[smem:$0x3F78] =	sst s1;
	(tag) =	ssettag s2;
	_ =	strace s9  }
0x27: {  	s1 =	sld [smem:$0x3F88]  }
0x28: {  	s2 =	sld [smem:$0x3F89]  }
0x29: {  	s4 =	sld [smem:$0x3F8B]  }
0x2a: {  	p0 =	seq.s32 s5, $0x0;
	s5 =	sld [smem:$0x3F8C]  }
0x2b: {  	s6 =	sld [smem:$0x3F8D]  }
0x2c: {  	s7 =	sld [smem:$0x3F8E]  }
0x2d: {  	s3 =	simm.s32 $0x108;
	s8 =	sld [smem:$0x3F8F]  }
0x2e: {  	s3 =	simm.s32 @!p0 $0x1082;
	s9 =	sld [smem:$0x3F90]  }
0x2f: {  	lr =	sadd.s32 s0, s3;
	s0 =	sld [smem:$0x3F87]  }
0x30: {  	s3 =	sld [smem:$0x3F8A]  }
0x31: {  	[smem:$0x3F93] =	sst s10  }
0x32: {  	s10 =	sld [smem:$0x3F91];
	_ =	sdelay $0x3  }
0x33: {  	p0 =	seq.s32 s10, $0x1;
	s10 =	sld [smem:$0x3F93];
	_ =	sdelay $0x3  }
0x34: {  	[smem:$0x3F93] =	sst s10  }
0x35: {  	s10 =	sld [smem:$0x3F92];
	_ =	sdelay $0x3  }
0x36: {  	p1 =	seq.s32 s10, $0x1;
	s10 =	sld [smem:$0x3F93];
	_ =	sdelay $0x3  }
0x37: {  	[smem:$0x3F93] =	sst s10  }
0x38: {  	s10 =	sld [smem:$0x3F94]  }
0x39: {  	_ = 	snop;
	(pc) =	sbr.ind lr, $3  }
0x3a: {  	_ = 	snop  }
0x3b: {  	_ = 	snop  }
0x3c: {  	p2 =	seq.s32 s10, $0x1;
	s10 =	sld [smem:$0x3F93]  }
0x3d: {  	_ =	shalt  }
0x3e: {  	_ =	shalt  }
0x3f: {  	_ =	shalt  }
0x40: {  	_ =	shalt  }
0x41: {  	_ =	shalt  }
0x42: {  	_ =	shalt  }
0x43: {  	_ =	shalt  }
0x44: {  	_ =	shalt  }
0x45: {  	_ =	shalt  }
0x46: {  	_ =	shalt  }
0x47: {  	_ =	shalt  }
0x48: {  	_ =	shalt  }
0x49: {  	_ =	shalt  }
0x4a: {  	_ =	shalt  }
0x4b: {  	_ =	shalt  }
0x4c: {  	_ =	shalt  }
0x4d: {  	_ =	shalt  }
0x4e: {  	_ =	shalt  }
0x4f: {  	_ =	shalt  }
0x50: {  	_ =	shalt  }
0x51: {  	_ =	shalt  }
0x52: {  	_ =	shalt  }
0x53: {  	_ =	shalt  }
0x54: {  	_ =	shalt  }
0x55: {  	_ =	shalt  }
0x56: {  	_ =	shalt  }
0x57: {  	_ =	shalt  }
0x58: {  	_ =	shalt  }
0x59: {  	_ =	shalt  }
0x5a: {  	_ =	shalt  }
0x5b: {  	_ =	shalt  }
0x5c: {  	_ =	shalt  }
0x5d: {  	_ =	shalt  }
0x5e: {  	_ =	shalt  }
0x5f: {  	_ =	shalt  }
0x60: {  	_ =	shalt  }
0x61: {  	_ =	shalt  }
0x62: {  	_ =	shalt  }
0x63: {  	_ =	shalt  }
0x64: {  	_ =	shalt  }
0x65: {  	_ =	shalt  }
0x66: {  	_ =	shalt  }
0x67: {  	_ =	shalt  }
0x68: {  	_ =	shalt  }
0x69: {  	_ =	shalt  }
0x6a: {  	_ =	shalt  }
0x6b: {  	_ =	shalt  }
0x6c: {  	_ =	shalt  }
0x6d: {  	_ =	shalt  }
0x6e: {  	_ =	shalt  }
0x6f: {  	_ =	shalt  }
0x70: {  	_ =	shalt  }
0x71: {  	_ =	shalt  }
0x72: {  	_ =	shalt  }
0x73: {  	_ =	shalt  }
0x74: {  	_ =	shalt  }
0x75: {  	_ =	shalt  }
0x76: {  	_ =	shalt  }
0x77: {  	_ =	shalt  }
0x78: {  	_ =	shalt  }
0x79: {  	_ =	shalt  }
0x7a: {  	_ =	shalt  }
0x7b: {  	_ =	shalt  }
0x7c: {  	_ =	shalt  }
0x7d: {  	_ =	shalt  }
0x7e: {  	_ =	shalt  }
0x7f: {  	_ =	shalt  }
0x80: {  	_ =	shalt  }
0x81: {  	_ =	shalt  }
0x82: {  	_ =	shalt  }
0x83: {  	_ =	shalt  }
0x84: {  	_ =	shalt  }
0x85: {  	_ =	shalt  }
0x86: {  	_ =	shalt  }
0x87: {  	_ =	shalt  }
.Lfunc_end0:
.L_simem_size_0:
called_computation.2_lowered:
.L_overlay_start_0:
0x88: {  	s2 =	sld [smem:$0x3FD9]  }
0x89: {  	s3 =	sld [smem:$0x3FFE];
	_ =	sdelay $0x1  }
0x8a: {  	s1 =	srdreg.scid  }
0x8b: {  	s0 =	sand.u32 $0x1, s1  }
0x8c: {  	s16 =	sshll.u32 s0, $0xA;
	s2 =	sadd.s32 s3, s2  }
0x8d: {  	s2 =	sadd.s32 s2, s16  }
0x8e: {  	[smem:$0x3F9F] =	sst s2  }
0x8f: {  	_ = 	snop  }
0x90: {  	(tm) =	ssettm $0x1  }
0x91: {  	s17 =	sld [smem:$0x3FFB];
	_ =	sdelay $0x3  }
0x92: {  	_ =	strace s17  }
0x93: {  	s2 =	sld [smem:$0x3FFC];
	_ =	sdelay $0x3  }
0x94: {  	_ =	strace s2  }
0x95: {  	s2 =	sld [smem:$0x3FFD];
	_ =	sdelay $0x3  }
0x96: {  	_ =	strace s2  }
0x97: {  	_ =	strace $0x8FFFFFFF  }
0x98: {  	s18 =	sld [smem:$0x3FDB];
	_ =	sdelay $0x1  }
0x99: {  	s19 =	simm.s32 $_scs_section_size  }
0x9a: {  	s4 =	simm.s32 $_size__tile_overlayer_lowered;
	s5 =	simm.s32 $_tile_overlayer_lowered  }
0x9b: {  	s22 =	simm.s32 $0x1BFF;
	s21 =	sshll.u32 s5, $0x1;
	s2 =	sadd.s32 s19, s18  }
0x9c: {  	s6 =	simm.s32 $0x0;
	s20 =	sshll.u32 s4, $0x1;
	s4 =	sadd.s32 s21, s2  }
0x9d: {  	[timem:s6], [sflag:s22] =	dma.local [hbm:s4], s20  }
0x9e: {  	_ =	swait.ge [sflag:s22], s20  }
0x9f: {  	s3 =	ssub.s32 $0x0, s20;
	[sflag:s22] =	ssyncset.done $0x0  }
0xa0: {  	[sflag:s22] =	ssyncadd.s32 s3;
	_ =	sdelay $0x1  }
0xa1: {  	s23 =	simm.s32 $0x1B8B  }
0xa2: {  	_ =	swait.ge [sflag:s23], $0x1  }
0xa3: {  	[sflag:s23] =	ssyncset.done $0x0  }
0xa4: {  	s25 =	simm.s32 $0x1B8E;
	s24 =	sld [smem:$0x3FFE];
	[sflag:s23] =	ssyncadd.s32 $0xFFFFFFFF  }
0xa5: {  	s26 =	simm.s32 $execute0_lowered;
	[smem:$0x3FD2] =	sst s25  }
0xa6: {  	s4 =	sshll.u32 s26, $0x1;
	_ =	strace $0x8000004C;
	[dreg:$0x1] =	wrdreg $0xFFFFFFFF  }
0xa7: {  	s28 =	simm.s32 $_size_execute0_lowered;
	s2 =	sadd.s32 s2, s4;
	[dreg:$0x0] =	wrdreg $0x0  }
0xa8: {  	s4 =	sshll.u32 s28, $0x1;
	[dreg:$0x2] =	wrdreg s2  }
0xa9: {  	[dreg:$0x3] =	wrdreg s4  }
0xaa: {  	[dreg:$0x4] =	wrdreg $0xC0  }
0xab: {  	_ =	task [dreg:s6], $0x5FFFF  }
0xac: {  	[dreg:$0x1] =	wrdreg $0xFFFFFFFF  }
0xad: {  	[dreg:$0x0] =	wrdreg $0x60  }
0xae: {  	[dreg:$0x2] =	wrdreg s24  }
0xaf: {  	[dreg:$0x3] =	wrdreg $0x41000  }
0xb0: {  	[dreg:$0x4] =	wrdreg $0x9  }
0xb1: {  	_ =	task.clear_ibuf [dreg:s6], $0x5FFFF;
	_ =	strace $0x9000004C  }
0xb2: {  	s29 =	simm.s32 $0x9;
	_ =	strace $0x8000004E  }
0xb3: {  	_ =	swait.ge [sflag:s29], $0x1  }
0xb4: {  	[sflag:s29] =	ssyncadd.s32 $0xFFFFFFFF  }
0xb5: {  	_ =	strace $0x9000004E  }
0xb6: {  	_ =	sfence  }
0xb7: {  	s30 =	sld [smem:$0x0];
	_ =	sdelay $0x2  }
0xb8: {  	s31 =	sshll.u32 s1, $0xD;
	s1 =	sshrl.u32 s1, $0x2  }
0xb9: {  	s3 =	sand.u32 $0x4000, s31;
	s1 =	sadd.s32 s1, s30  }
0xba: {  	s0 =	sor.u32 s3, s0;
	s1 =	sshll.u32 s1, $0x11  }
0xbb: {  	s0 =	sor.u32 s1, s0  }
0xbc: {  	s0 =	sadd.s32 $0x8F2B, s0  }
0xbd: {  	[sflag:s0] =	ssyncadd.remote.s32 $0x1  }
0xbe: {  	_ =	sfence.sel $0xFFFF  }
0xbf: {  	[dreg:$0x0] =	wrdreg $0xFFFFFFFF;
	(pc) =	sbr.abs _section_cstart, $3  }
0xc0: {  	[dreg:$0x1] =	wrdreg $0xFFFFFFFF  }
0xc1: {  	_ =	task.clear_ibuf [dreg:s6], $0x2FFFF;
	_ =	strace $0x9FFFFFFF  }
0xc2: {  	(tm) =	ssettm $0x7FFFFFFF  }
0xc3: {  	_ =	shalt  }
tec
execute0_lowered:
.L_overlay_start_1:
0x0: {  	(tag) =	ssettag $0x1  }
0x1: {  	s8 =	rddreg [dreg:$0x0]  }
0x2: {  	s2 =	rddreg [dreg:$0x1]  }
0x3: {  	s0 =	rddreg [dreg:$0x2];
	s3 =	simm.s32 $0x0  }
0x4: {  	s1 =	stileid.u32;
	s9 =	srdreg.scid;
	s16 =	simm.s32 $0x80  }
0x5: {  	s17 =	simm.s32 $0x100;
	s18 =	simm.s32 $0x1;
	s19 =	simm.s32 $0x0  }
0x6: {  	[smem:$0x7FF] =	sst s3;
	s4 =	sadd.s32 $0x1CC00, s8;
	s7 =	smul.u32 $0x9D0, s1  }
0x7: {  	s5 =	sadd.s32 $0x43E00, s8;
	s6 =	smul.u32 $0x2780, s1;
	s14 =	sand.u32 $0x1, s9  }
0x8: {  	s30 =	smul.u32 $0x4F000, s1;
	s31 =	sshll.u32 s1, $0x6;
	_ =	strace $0x8000004D  }
0x9: {  	s11 =	ssub.s32 $0x2, s14;
	p0 =	sne.s32 s14, $0x0;
	s13 =	sadd.s32 s7, s8  }
.Ltmp0:
0xa: {  	s10 =	sadd.s32 s6, s8;
	s7 =	sadd.s32 $0x107E00, s8;
	(pc) =	sbr.rel .LBB2_1-.Ltmp0, $4  }
0xb: {  	s8 =	sadd.s32 $0x12F600, s8;
	s12 =	sshrl.u32 s11, $0x1;
	s9 =	sshrl.u32 s30, $0x2  }
0xc: {  	s11 =	ssub.s32 s11, s12;
	s15 =	sadd.s32 s9, s2;
	s9 =	sadd.s32 $0x92200, s10  }
0xd: {  	s10 =	sor.u32 $0x1C02, s31;
	s12 =	sadd.s32 $0x9000, s13;
	s13 =	sadd.s32 $0x12E00, s13  }
0xe: {  	s11 =	smax.u32 s11, $0x1;
	s14 =	sshrl.u32 s15, $0x3;
	s15 =	simm.s32 $0x2  }
.LBB2_7:
0xf: {  	s21 =	sadd.s32 s20, s13;
	[sflag:s15] =	ssyncadd.s32 $0xFFFFC000  }
0x10: {  	[tilespmem:s3], [sflag:$0x2] =	stream.linear.gather [hbm4b:s21+s3], $0x80, $0x38;
	[tilespmem:$0x17D00] =	vst v63  }
0x11: {  	_ =	swait.ge [sflag:s15], $0x80  }
0x12: {  	[sflag:s15] =	ssyncset.done $0x0  }
0x13: {  	s31 =	sadd.s32 s20, s12;
	[sflag:s15] =	ssyncadd.s32 $0xFFFFFF80  }
0x14: {  	[tilespmem:s16], [sflag:$0x2] =	stream.linear.gather [hbm4b:s31+s3], $0x80, $0x38;
	[tilespmem:$0x17D00] =	vst v63  }
0x15: {  	_ =	swait.ge [sflag:s15], $0x80  }
0x16: {  	[sflag:s15] =	ssyncset.done $0x0  }
0x17: {  	[sflag:s15] =	ssyncadd.s32 $0xFFFFFF80  }
0x18: {  	[tilespmem:s17], [sflag:$0x1] =	stream.indirect.gather [hbm4b:s5+s16], $0x80, s3, s16, $0xb8;
	[tilespmem:$0x17D00] =	vst v63  }
0x19: {  	_ =	swait.ge [sflag:s18], $0x4000  }
0x1a: {  	[sflag:s18] =	ssyncset.done $0x0  }
0x1b: {  	[sflag:s18] =	ssyncadd.s32 $0xFFFFC000  }
0x1c: {  	[spmem:s2] =	stream.indirect.scatter.add.f32 [tilespmem:s17], [sflag:$0x2], $0x80, s16, s16, $0xb8;
	[tilespmem:$0x17D00] =	vst v63  }
0x1d: {  	_ =	swait.ge [sflag:s15], $0x4000  }
0x1e: {  	[sflag:s15] =	ssyncset.done $0x0  }
0x1f: {  	s20 =	smov.u32 s8;
	[sflag:s15] =	ssyncadd.s32 $0xFFFFC000  }
.LBB2_8:
0x20: {  	s19 =	sadd.s32 $0x1, s19  }
0x21: {  	p1 =	sne.s32 s19, s11  }
.Ltmp1:
0x22: {  	s20 =	sadd.s32 s20, s6;
	[bflag:$0x0] =	sbarrier.arrive $0xFFFF;
	(pc) =	sbr.rel @!p1 .LBB2_9-.Ltmp1, $4  }
0x23: {  	[hbm:s20], [sflag:s10] =	dma.local [spmem:s14], $0x2780  }
0x24: {  	_ =	swait.ge [sflag:s15], $0x2780  }
0x25: {  	[sflag:s15] =	ssyncset.done $0x0  }
0x26: {  	[sflag:s15] =	ssyncadd.s32 $0xFFFFD880  }
.LBB2_1:
0x27: {  	[spmem:s14], [sflag:s10] =	dma.local [hbm:s9], $0x2780  }
.Ltmp2:
0x28: {  	_ =	swait.ge [sflag:s15], $0x2780;
	(pc) =	sbr.rel @p0 .LBB2_5-.Ltmp2, $4  }
0x29: {  	[sflag:s15] =	ssyncset.done $0x0  }
0x2a: {  	[sflag:s15] =	ssyncadd.s32 $0xFFFFD880  }
0x2b: {  	[bflag:$0x0] =	sbarrier.arrive $0xFFFF  }
0x2c: {  	s20 =	sadd.s32 $0x0, s13  }
0x2d: {  	[tilespmem:s3], [sflag:$0x2] =	stream.linear.gather [hbm4b:s20+s3], $0x80, $0x38;
	[tilespmem:$0x17D00] =	vst v63  }
0x2e: {  	_ =	swait.ge [sflag:s15], $0x80  }
0x2f: {  	[sflag:s15] =	ssyncset.done $0x0  }
0x30: {  	s31 =	sadd.s32 $0x0, s12;
	[sflag:s15] =	ssyncadd.s32 $0xFFFFFF80  }
0x31: {  	[tilespmem:s16], [sflag:$0x2] =	stream.linear.gather [hbm4b:s31+s3], $0x80, $0x38;
	[tilespmem:$0x17D00] =	vst v63  }
0x32: {  	_ =	swait.ge [sflag:s15], $0x80  }
0x33: {  	[sflag:s15] =	ssyncset.done $0x0  }
0x34: {  	[sflag:s15] =	ssyncadd.s32 $0xFFFFFF80  }
0x35: {  	[tilespmem:s17], [sflag:$0x1] =	stream.indirect.gather [hbm4b:s4+s16], $0x80, s3, s16, $0xb8;
	[tilespmem:$0x17D00] =	vst v63  }
0x36: {  	_ =	swait.ge [sflag:s18], $0x4000  }
0x37: {  	[sflag:s18] =	ssyncset.done $0x0  }
0x38: {  	[sflag:s18] =	ssyncadd.s32 $0xFFFFC000  }
0x39: {  	[spmem:s2] =	stream.indirect.scatter.add.f32 [tilespmem:s17], [sflag:$0x2], $0x80, s16, s16, $0xb8;
	[tilespmem:$0x17D00] =	vst v63  }
0x3a: {  	_ =	swait.ge [sflag:s15], $0x4000  }
0x3b: {  	s20 =	simm.s32 $0x10;
	s21 =	simm.s32 $0x20;
	[sflag:s15] =	ssyncset.done $0x0  }
.LBB2_3:
0x3c: {  	s22 =	sadd.s32 s20, s13  }
0x3d: {  	[sflag:s15] =	ssyncadd.s32 $0xFFFFC000;
	s23 =	smov.u32 s21;
	s24 =	sadd.s32 $0x10, s21  }
0x3e: {  	[tilespmem:s3], [sflag:$0x2] =	stream.linear.gather [hbm4b:s22+s3], $0x80, $0x38;
	[tilespmem:$0x17D00] =	vst v63  }
0x3f: {  	p1 =	seq.s32 s21, $0x9C0;
	_ =	swait.ge [sflag:s15], $0x80  }
0x40: {  	[sflag:s15] =	ssyncset.done $0x0  }
0x41: {  	s21 =	sadd.s32 s20, s12;
	s20 =	smov.u32 s23;
	[sflag:s15] =	ssyncadd.s32 $0xFFFFFF80  }
0x42: {  	[tilespmem:s16], [sflag:$0x2] =	stream.linear.gather [hbm4b:s21+s3], $0x80, $0x38;
	[tilespmem:$0x17D00] =	vst v63  }
0x43: {  	_ =	swait.ge [sflag:s15], $0x80  }
0x44: {  	[sflag:s15] =	ssyncset.done $0x0  }
0x45: {  	[sflag:s15] =	ssyncadd.s32 $0xFFFFFF80  }
0x46: {  	[tilespmem:s17], [sflag:$0x1] =	stream.indirect.gather [hbm4b:s4+s16], $0x80, s3, s16, $0xb8;
	[tilespmem:$0x17D00] =	vst v63  }
0x47: {  	_ =	swait.ge [sflag:s18], $0x4000  }
.Ltmp3:
0x48: {  	[sflag:s18] =	ssyncset.done $0x0;
	(pc) =	sbr.rel @!p1 .LBB2_3-.Ltmp3, $4  }
0x49: {  	[sflag:s18] =	ssyncadd.s32 $0xFFFFC000  }
0x4a: {  	[spmem:s2] =	stream.indirect.scatter.add.f32 [tilespmem:s17], [sflag:$0x2], $0x80, s16, s16, $0xb8;
	[tilespmem:$0x17D00] =	vst v63  }
0x4b: {  	_ =	swait.ge [sflag:s15], $0x4000  }
0x4c: {  	s21 =	smov.u32 s24;
	[sflag:s15] =	ssyncset.done $0x0  }
0x4d: {  	s21 =	sadd.s32 s20, s13;
	[sflag:s15] =	ssyncadd.s32 $0xFFFFC000  }
0x4e: {  	[tilespmem:s3], [sflag:$0x2] =	stream.linear.gather [hbm4b:s21+s3], $0x80, $0x38;
	[tilespmem:$0x17D00] =	vst v63  }
0x4f: {  	_ =	swait.ge [sflag:s15], $0x80  }
0x50: {  	[sflag:s15] =	ssyncset.done $0x0  }
0x51: {  	s31 =	sadd.s32 s20, s12;
	[sflag:s15] =	ssyncadd.s32 $0xFFFFFF80  }
0x52: {  	[tilespmem:s16], [sflag:$0x2] =	stream.linear.gather [hbm4b:s31+s3], $0x80, $0x38;
	[tilespmem:$0x17D00] =	vst v63  }
0x53: {  	_ =	swait.ge [sflag:s15], $0x80  }
0x54: {  	[sflag:s15] =	ssyncset.done $0x0  }
0x55: {  	[sflag:s15] =	ssyncadd.s32 $0xFFFFFF80  }
0x56: {  	[tilespmem:s17], [sflag:$0x1] =	stream.indirect.gather [hbm4b:s4+s16], $0x80, s3, s16, $0xb8;
	[tilespmem:$0x17D00] =	vst v63  }
0x57: {  	_ =	swait.ge [sflag:s18], $0x4000  }
0x58: {  	[sflag:s18] =	ssyncset.done $0x0  }
.Ltmp4:
0x59: {  	[sflag:s18] =	ssyncadd.s32 $0xFFFFC000;
	(pc) =	sbr.rel .LBB2_8-.Ltmp4, $4  }
0x5a: {  	[spmem:s2] =	stream.indirect.scatter.add.f32 [tilespmem:s17], [sflag:$0x2], $0x80, s16, s16, $0xb8;
	[tilespmem:$0x17D00] =	vst v63  }
0x5b: {  	_ =	swait.ge [sflag:s15], $0x4000  }
0x5c: {  	[sflag:s15] =	ssyncset.done $0x0  }
0x5d: {  	s20 =	smov.u32 s7;
	[sflag:s15] =	ssyncadd.s32 $0xFFFFC000  }
.LBB2_5:
0x5e: {  	[tilespmem:s3], [sflag:$0x2] =	stream.linear.gather [hbm4b:s20+s3], $0x80, $0x38;
	[tilespmem:$0x17D00] =	vst v63  }
0x5f: {  	_ =	swait.ge [sflag:s15], $0x80  }
0x60: {  	[sflag:s15] =	ssyncset.done $0x0  }
0x61: {  	s31 =	sadd.s32 $0x0, s12;
	[sflag:s15] =	ssyncadd.s32 $0xFFFFFF80  }
0x62: {  	[tilespmem:s16], [sflag:$0x2] =	stream.linear.gather [hbm4b:s31+s3], $0x80, $0x38;
	[tilespmem:$0x17D00] =	vst v63  }
0x63: {  	_ =	swait.ge [sflag:s15], $0x80  }
0x64: {  	[sflag:s15] =	ssyncset.done $0x0  }
0x65: {  	[sflag:s15] =	ssyncadd.s32 $0xFFFFFF80  }
0x66: {  	[tilespmem:s17], [sflag:$0x1] =	stream.indirect.gather [hbm4b:s5+s16], $0x80, s3, s16, $0xb8;
	[tilespmem:$0x17D00] =	vst v63  }
0x67: {  	_ =	swait.ge [sflag:s18], $0x4000  }
0x68: {  	[sflag:s18] =	ssyncset.done $0x0  }
0x69: {  	[sflag:s18] =	ssyncadd.s32 $0xFFFFC000  }
0x6a: {  	[spmem:s2] =	stream.indirect.scatter.add.f32 [tilespmem:s17], [sflag:$0x2], $0x80, s16, s16, $0xb8;
	[tilespmem:$0x17D00] =	vst v63  }
0x6b: {  	_ =	swait.ge [sflag:s15], $0x4000  }
0x6c: {  	s20 =	simm.s32 $0x10;
	s21 =	simm.s32 $0x20;
	[sflag:s15] =	ssyncset.done $0x0  }
.LBB2_6:
0x6d: {  	s22 =	sadd.s32 s20, s13  }
0x6e: {  	[sflag:s15] =	ssyncadd.s32 $0xFFFFC000;
	s23 =	smov.u32 s21;
	s24 =	sadd.s32 $0x10, s21  }
0x6f: {  	[tilespmem:s3], [sflag:$0x2] =	stream.linear.gather [hbm4b:s22+s3], $0x80, $0x38;
	[tilespmem:$0x17D00] =	vst v63  }
0x70: {  	p1 =	sne.s32 s21, $0x9C0;
	_ =	swait.ge [sflag:s15], $0x80  }
0x71: {  	[sflag:s15] =	ssyncset.done $0x0  }
0x72: {  	s21 =	sadd.s32 s20, s12;
	s20 =	smov.u32 s23;
	[sflag:s15] =	ssyncadd.s32 $0xFFFFFF80  }
0x73: {  	[tilespmem:s16], [sflag:$0x2] =	stream.linear.gather [hbm4b:s21+s3], $0x80, $0x38;
	[tilespmem:$0x17D00] =	vst v63  }
0x74: {  	_ =	swait.ge [sflag:s15], $0x80  }
0x75: {  	[sflag:s15] =	ssyncset.done $0x0  }
0x76: {  	[sflag:s15] =	ssyncadd.s32 $0xFFFFFF80  }
0x77: {  	[tilespmem:s17], [sflag:$0x1] =	stream.indirect.gather [hbm4b:s5+s16], $0x80, s3, s16, $0xb8;
	[tilespmem:$0x17D00] =	vst v63  }
0x78: {  	_ =	swait.ge [sflag:s18], $0x4000  }
.Ltmp5:
0x79: {  	[sflag:s18] =	ssyncset.done $0x0;
	(pc) =	sbr.rel @p1 .LBB2_6-.Ltmp5, $4  }
0x7a: {  	[sflag:s18] =	ssyncadd.s32 $0xFFFFC000  }
0x7b: {  	[spmem:s2] =	stream.indirect.scatter.add.f32 [tilespmem:s17], [sflag:$0x2], $0x80, s16, s16, $0xb8;
	[tilespmem:$0x17D00] =	vst v63  }
0x7c: {  	_ =	swait.ge [sflag:s15], $0x4000  }
0x7d: {  	s21 =	smov.u32 s24;
	[sflag:s15] =	ssyncset.done $0x0  }
.Ltmp6:
0x7e: {  	_ = 	snop;
	(pc) =	sbr.rel .LBB2_7-.Ltmp6, $1  }
0x7f: {  	_ =	sdelay $0x3  }
.LBB2_9:
0x80: {  	_ =	sfence.sel $0x180000  }
0x81: {  	[bflag:$0x0] =	sbarrier.arrive $0xFFFF  }
0x82: {  	p0 =	sne.s32 s1, $0x0;
	_ =	strace $0x9000004D  }
0x83: {  	s0 =	sadd.s32 @!p0 $0x100000, s0;
	[bflag:$0x2] =	sbarrier.arrive $0xFFFF  }
0x84: {  	[sflag:s0] =	ssyncadd.tile.s32 @!p0 $0x1;
	_ =	shalt  }
.Lfunc_end2:
_tile_overlayer_lowered:
.L_overlay_start_2:
0x85: {  	(tag) =	ssettag $0x2  }
0x86: {  	s0 =	rddreg [dreg:$0x0];
	s2 =	stileid.u32  }
0x87: {  	s1 =	rddreg [dreg:$0x1];
	p0 =	sne.s32 s2, $0x0  }
0x88: {  	s3 =	rddreg [dreg:$0x2];
	[bflag:$0x3] =	sbarrier.arrive $0xFFFF;
	s2 =	simm.s32 @!p0 $0x1C02  }
0x89: {  	[timem:s3], [sflag:s2] =	dma.local @!p0 [hbm:s0], s1  }
0x8a: {  	s0 =	simm.s32 @!p0 $0x2  }
0x8b: {  	_ =	swait.ge @!p0 [sflag:s0], s1  }
0x8c: {  	s1 =	ssub.s32 @!p0 $0x0, s1;
	[sflag:s0] =	ssyncset.done @!p0 $0x0  }
0x8d: {  	[sflag:s0] =	ssyncadd.s32 @!p0 s1  }
0x8e: {  	[bflag:$0x3] =	sbarrier.arrive $0xFFFF  }
0x8f: {  	_ =	shalt  }

</sc_bundles>
